<compile_context>
chip_gen: v7x
topology: tpu7x:2x2x1
jax: 0.10.2.dev20260603
libtpu: 0.0.44.dev20260713+nightly
codegen_flags: <defaults>
</compile_context>

<pallas_src>
import functools

import jax
import jax.numpy as jnp
from jax import lax
from jax.experimental import pallas as pl
from jax.experimental.pallas import tpu as pltpu
from jax.experimental.pallas import tpu_sc as plsc

_VOCAB = 1000000
_EMB = 64
_OUT = 32
_B = 4096
_L = 200
_NTOK = _B * _L

_MB = 8192
_NBLK = -(-_VOCAB // _MB)
_NGB = 32
_G = _NGB * _MB

_NC = 2
_NS = 16
_NW = _NC * _NS
_PER_W = _NTOK // _NW
_BPW = _B // _NW
_CB = 8
_CHUNK = _CB * _L
_NCHUNK = _BPW // _CB


def _proj_body(l0, l1, l2, l3, w_ref, b_ref, out_ref):
    for j, lref in enumerate((l0, l1, l2, l3)):
        prod = lax.dot_general(
            lref[...], w_ref[...], (((0,), (0,)), ((), ())),
            preferred_element_type=jnp.float32,
        )
        out_ref[:, 32 * j:32 * (j + 1)] = prod + b_ref[...]


def _lhs_spec(j):
    def index_map(i):
        return (0, jnp.minimum(j * _NGB + i, _NBLK - 1))

    return pl.BlockSpec((_EMB, _MB), index_map)


def _project_table(emb_table, fc_w, fc_b):
    embT = emb_table.T
    packed = pl.pallas_call(
        _proj_body,
        grid=(_NGB,),
        in_specs=[_lhs_spec(j) for j in range(4)] + [
            pl.BlockSpec((_EMB, _OUT), lambda i: (0, 0)),
            pl.BlockSpec((1, _OUT), lambda i: (0, 0)),
        ],
        out_specs=pl.BlockSpec((_MB, 128), lambda i: (i, 0)),
        out_shape=jax.ShapeDtypeStruct((_G, 128), jnp.float32),
        compiler_params=pltpu.CompilerParams(vmem_limit_bytes=50 * 2**20),
    )(embT, embT, embT, embT, fc_w.T, fc_b.reshape(1, _OUT))
    return packed.reshape(4 * _G, _OUT)


_MESH = plsc.VectorSubcoreMesh(core_axis_name="c", subcore_axis_name="s")


def _make_gather(ntok, chunk):
    per_w = ntok // _NW
    nchunk = per_w // chunk

    @functools.partial(
        pl.kernel,
        mesh=_MESH,
        out_type=jax.ShapeDtypeStruct((ntok, _OUT), jnp.float32),
        scratch_types=[
            pltpu.VMEM((chunk,), jnp.int32),
            pltpu.VMEM((chunk,), jnp.int32),
            pltpu.VMEM((chunk, _OUT), jnp.float32),
            pltpu.VMEM((chunk, _OUT), jnp.float32),
            pltpu.SemaphoreType.DMA,
            pltpu.SemaphoreType.DMA,
        ],
        compiler_params=pltpu.CompilerParams(use_tc_tiling_on_sc=False),
    )
    def gather_rows(proj_hbm, idx_hbm, out_hbm, i0, i1, r0, r1, s0, s1):
        wid = lax.axis_index("s") * _NC + lax.axis_index("c")
        base = wid * per_w
        idx = (i0, i1)
        rows = (r0, r1)
        sem = (s0, s1)

        def off(j):
            return pl.multiple_of(base + j * chunk, 8)

        pltpu.sync_copy(idx_hbm.at[pl.ds(off(0), chunk)], i0)
        g = pltpu.async_copy(proj_hbm.at[i0], r0, s0)
        for j in range(nchunk):
            a = j % 2
            b = (j + 1) % 2
            if j + 1 < nchunk:
                pltpu.sync_copy(idx_hbm.at[pl.ds(off(j + 1), chunk)], idx[b])
            g.wait()
            if j + 1 < nchunk:
                g = pltpu.async_copy(proj_hbm.at[idx[b]], rows[b], sem[b])
            pltpu.sync_copy(rows[a], out_hbm.at[pl.ds(off(j), chunk)])

    return gather_rows


_gather_all = _make_gather(_NTOK, _CHUNK)


def kernel(inputs_ids, input_lens, emb_table, fc_w, fc_b):
    del input_lens
    proj = _project_table(emb_table, fc_w, fc_b)
    v = inputs_ids.reshape(_NTOK).astype(jnp.int32)
    ids_flat = lax.shift_left(v & (_G - 1), 2) | lax.shift_right_logical(v, 18)
    flat = _gather_all(proj, ids_flat)
    return flat.reshape(_B, _L, _OUT)

# --- scband reference (transcript-rebuilt; emitter-appended) ---
"""Pipeline reference for scband-bi-lstm-57655640982138 (READ-ONLY COPY).

The authoritative reference and input builder live on the scoring server;
editing this copy changes nothing except your own understanding.
"""

import jax, jax.numpy as jnp
import numpy as np

VOCAB = 1000000
EMB = 64
OUT = 32
B = 4096
L = 200

def setup_inputs(seed: int = 0) -> dict:
    key = jax.random.key(seed)
    k1, k2, k3, k4, k5 = jax.random.split(key, 5)
    inputs_ids = jax.random.randint(k1, (B, L), 0, VOCAB, dtype=jnp.int64 if jax.config.jax_enable_x64 else jnp.int32)
    input_lens = jax.random.randint(k2, (B,), 0, L, dtype=jnp.int64 if jax.config.jax_enable_x64 else jnp.int32)
    emb_table = jax.random.normal(k3, (VOCAB, EMB), dtype=jnp.float32) * 0.02
    fc_w = jax.random.normal(k4, (OUT, EMB), dtype=jnp.float32) * (1.0 / np.sqrt(EMB))
    fc_b = jax.random.normal(k5, (OUT,), dtype=jnp.float32) * 0.01
    return {"inputs_ids": inputs_ids, "input_lens": input_lens, "emb_table": emb_table, "fc_w": fc_w, "fc_b": fc_b}

def reference(inputs_ids, input_lens, emb_table, fc_w, fc_b):
    # forward: embedding lookup -> dropout (identity in eval) -> linear
    emb = jnp.take(emb_table, inputs_ids, axis=0)  # [B, L, EMB]
    scores = jnp.einsum('ble,oe->blo', emb, fc_w) + fc_b  # [B, L, OUT]
    return scores

if __name__ == "__main__":
    import jax
    _d = setup_inputs()
    print(jax.jit(kernel)(*tuple(_d.values())))

</pallas_src>

<mosaic_0001>
#map = affine_map<(d0, d1) -> (0, 0)>
#map1 = affine_map<(d0, d1) -> (0)>
module attributes {stable_mosaic.version = 14 : i64} {
  func.func @gather_rows(%arg0: i32, %arg1: i32, %arg2: memref<1048576x32xf32, #tpu.memory_space<hbm>>, %arg3: memref<819200xi32, #tpu.memory_space<hbm>>, %arg4: memref<819200x32xf32, #tpu.memory_space<hbm>>, %arg5: memref<1600xi32, #tpu.memory_space<vmem>>, %arg6: memref<1600xi32, #tpu.memory_space<vmem>>, %arg7: memref<1600x32xf32, #tpu.memory_space<vmem>>, %arg8: memref<1600x32xf32, #tpu.memory_space<vmem>>, %arg9: memref<!tpu.dma_semaphore, #tpu.memory_space<semaphore_mem>>, %arg10: memref<!tpu.dma_semaphore, #tpu.memory_space<semaphore_mem>>) attributes {dimension_semantics = [#tpu.dimension_semantics<core_parallel>, #tpu.dimension_semantics<subcore_parallel>], iteration_bounds = array<i64: 2, 16>, scalar_prefetch = 0 : i64, scratch_operands = 6 : i64, tpu.core_type = #tpu.core_type<sc_vector_subcore>, window_params = [{transform_indices = #map}, {transform_indices = #map1}, {transform_indices = #map}]} {
    %mul3A = arith.constant 2 : i32
    %mul3A_0 = arith.muli %arg1, %mul3A : i32
    %add3A = arith.addi %mul3A_0, %arg0 : i32
    %mul3A_1 = arith.constant 25600 : i32
    %mul3A_2 = arith.muli %add3A, %mul3A_1 : i32
    %add3A_3 = arith.constant 0 : i32
    %add3A_4 = arith.addi %mul3A_2, %add3A_3 : i32
    %multiple_of3A = tpu.assume_multiple %add3A_4, 8 : i32
    "tpu.region"() ({
      %run_scoped3A = tpu.sem_alloc : memref<!tpu.dma_semaphore, #tpu.memory_space<semaphore_mem>>
      %dma_start3A_192 = tpu.memref_slice %arg3[%multiple_of3A] : memref<819200xi32, #tpu.memory_space<hbm>> -> memref<1600xi32, #tpu.memory_space<hbm>>
      %dma_start3A_193 = tpu.memref_slice %arg3[%multiple_of3A] : memref<819200xi32, #tpu.memory_space<hbm>> -> memref<1600xi32, #tpu.memory_space<hbm>>
      tpu.enqueue_dma source(%dma_start3A_193 : memref<1600xi32, #tpu.memory_space<hbm>>) target(%arg5 : memref<1600xi32, #tpu.memory_space<vmem>>) target_semaphore(%run_scoped3A : memref<!tpu.dma_semaphore, #tpu.memory_space<semaphore_mem>>)
      %dma_wait3A_194 = tpu.memref_slice %arg3[%multiple_of3A] : memref<819200xi32, #tpu.memory_space<hbm>> -> memref<1600xi32, #tpu.memory_space<hbm>>
      %dma_wait3A_195 = tpu.memref_slice %arg3[%multiple_of3A] : memref<819200xi32, #tpu.memory_space<hbm>> -> memref<1600xi32, #tpu.memory_space<hbm>>
      tpu.wait_dma2 semaphore(%run_scoped3A : memref<!tpu.dma_semaphore, #tpu.memory_space<semaphore_mem>>) src(%dma_wait3A_195 : memref<1600xi32, #tpu.memory_space<hbm>>) dst(%arg5 : memref<1600xi32, #tpu.memory_space<vmem>>)
      tpu.yield
    }) : () -> ()
    %dma_start3A = arith.constant 0 : i32
    %dma_start3A_5 = arith.constant 0 : i32
    %dma_start3A_6 = tpu.memref_slice %arg2[%dma_start3A, %dma_start3A_5] : memref<1048576x32xf32, #tpu.memory_space<hbm>> -> memref<1048576x32xf32, #tpu.memory_space<hbm>>
    tpu.enqueue_indirect_dma source(%dma_start3A_6 : memref<1048576x32xf32, #tpu.memory_space<hbm>>) target(%arg7 : memref<1600x32xf32, #tpu.memory_space<vmem>>) offsets(%arg5 : memref<1600xi32, #tpu.memory_space<vmem>>) semaphore(%arg9 : memref<!tpu.dma_semaphore, #tpu.memory_space<semaphore_mem>>)
    %add3A_7 = arith.constant 1600 : i32
    %add3A_8 = arith.addi %mul3A_2, %add3A_7 : i32
    %multiple_of3A_9 = tpu.assume_multiple %add3A_8, 8 : i32
    "tpu.region"() ({
      %run_scoped3A = tpu.sem_alloc : memref<!tpu.dma_semaphore, #tpu.memory_space<semaphore_mem>>
      %dma_start3A_192 = tpu.memref_slice %arg3[%multiple_of3A_9] : memref<819200xi32, #tpu.memory_space<hbm>> -> memref<1600xi32, #tpu.memory_space<hbm>>
      %dma_start3A_193 = tpu.memref_slice %arg3[%multiple_of3A_9] : memref<819200xi32, #tpu.memory_space<hbm>> -> memref<1600xi32, #tpu.memory_space<hbm>>
      tpu.enqueue_dma source(%dma_start3A_193 : memref<1600xi32, #tpu.memory_space<hbm>>) target(%arg6 : memref<1600xi32, #tpu.memory_space<vmem>>) target_semaphore(%run_scoped3A : memref<!tpu.dma_semaphore, #tpu.memory_space<semaphore_mem>>)
      %dma_wait3A_194 = tpu.memref_slice %arg3[%multiple_of3A_9] : memref<819200xi32, #tpu.memory_space<hbm>> -> memref<1600xi32, #tpu.memory_space<hbm>>
      %dma_wait3A_195 = tpu.memref_slice %arg3[%multiple_of3A_9] : memref<819200xi32, #tpu.memory_space<hbm>> -> memref<1600xi32, #tpu.memory_space<hbm>>
      tpu.wait_dma2 semaphore(%run_scoped3A : memref<!tpu.dma_semaphore, #tpu.memory_space<semaphore_mem>>) src(%dma_wait3A_195 : memref<1600xi32, #tpu.memory_space<hbm>>) dst(%arg6 : memref<1600xi32, #tpu.memory_space<vmem>>)
      tpu.yield
    }) : () -> ()
    %dma_wait3A = arith.constant 0 : i32
    %dma_wait3A_10 = arith.constant 0 : i32
    %dma_wait3A_11 = tpu.memref_slice %arg2[%dma_wait3A, %dma_wait3A_10] : memref<1048576x32xf32, #tpu.memory_space<hbm>> -> memref<1048576x32xf32, #tpu.memory_space<hbm>>
    tpu.wait_indirect_dma semaphore(%arg9 : memref<!tpu.dma_semaphore, #tpu.memory_space<semaphore_mem>>) src(%dma_wait3A_11 : memref<1048576x32xf32, #tpu.memory_space<hbm>>) dst(%arg7 : memref<1600x32xf32, #tpu.memory_space<vmem>>)
    %dma_start3A_12 = arith.constant 0 : i32
    %dma_start3A_13 = arith.constant 0 : i32
    %dma_start3A_14 = tpu.memref_slice %arg2[%dma_start3A_12, %dma_start3A_13] : memref<1048576x32xf32, #tpu.memory_space<hbm>> -> memref<1048576x32xf32, #tpu.memory_space<hbm>>
    tpu.enqueue_indirect_dma source(%dma_start3A_14 : memref<1048576x32xf32, #tpu.memory_space<hbm>>) target(%arg8 : memref<1600x32xf32, #tpu.memory_space<vmem>>) offsets(%arg6 : memref<1600xi32, #tpu.memory_space<vmem>>) semaphore(%arg10 : memref<!tpu.dma_semaphore, #tpu.memory_space<semaphore_mem>>)
    %add3A_15 = arith.constant 0 : i32
    %add3A_16 = arith.addi %mul3A_2, %add3A_15 : i32
    %multiple_of3A_17 = tpu.assume_multiple %add3A_16, 8 : i32
    "tpu.region"() ({
      %run_scoped3A = tpu.sem_alloc : memref<!tpu.dma_semaphore, #tpu.memory_space<semaphore_mem>>
      %dma_start3A_192 = arith.constant 0 : i32
      %dma_start3A_193 = tpu.memref_slice %arg4[%multiple_of3A_17, %dma_start3A_192] : memref<819200x32xf32, #tpu.memory_space<hbm>> -> memref<1600x32xf32, #tpu.memory_space<hbm>>
      %dma_start3A_194 = arith.constant 0 : i32
      %dma_start3A_195 = tpu.memref_slice %arg4[%multiple_of3A_17, %dma_start3A_194] : memref<819200x32xf32, #tpu.memory_space<hbm>> -> memref<1600x32xf32, #tpu.memory_space<hbm>>
      tpu.enqueue_dma source(%arg7 : memref<1600x32xf32, #tpu.memory_space<vmem>>) target(%dma_start3A_195 : memref<1600x32xf32, #tpu.memory_space<hbm>>) target_semaphore(%run_scoped3A : memref<!tpu.dma_semaphore, #tpu.memory_space<semaphore_mem>>)
      %dma_wait3A_196 = arith.constant 0 : i32
      %dma_wait3A_197 = tpu.memref_slice %arg4[%multiple_of3A_17, %dma_wait3A_196] : memref<819200x32xf32, #tpu.memory_space<hbm>> -> memref<1600x32xf32, #tpu.memory_space<hbm>>
      %dma_wait3A_198 = arith.constant 0 : i32
      %dma_wait3A_199 = tpu.memref_slice %arg4[%multiple_of3A_17, %dma_wait3A_198] : memref<819200x32xf32, #tpu.memory_space<hbm>> -> memref<1600x32xf32, #tpu.memory_space<hbm>>
      tpu.wait_dma2 semaphore(%run_scoped3A : memref<!tpu.dma_semaphore, #tpu.memory_space<semaphore_mem>>) src(%arg7 : memref<1600x32xf32, #tpu.memory_space<vmem>>) dst(%dma_wait3A_199 : memref<1600x32xf32, #tpu.memory_space<hbm>>)
      tpu.yield
    }) : () -> ()
    %add3A_18 = arith.constant 3200 : i32
    %add3A_19 = arith.addi %mul3A_2, %add3A_18 : i32
    %multiple_of3A_20 = tpu.assume_multiple %add3A_19, 8 : i32
    "tpu.region"() ({
      %run_scoped3A = tpu.sem_alloc : memref<!tpu.dma_semaphore, #tpu.memory_space<semaphore_mem>>
      %dma_start3A_192 = tpu.memref_slice %arg3[%multiple_of3A_20] : memref<819200xi32, #tpu.memory_space<hbm>> -> memref<1600xi32, #tpu.memory_space<hbm>>
      %dma_start3A_193 = tpu.memref_slice %arg3[%multiple_of3A_20] : memref<819200xi32, #tpu.memory_space<hbm>> -> memref<1600xi32, #tpu.memory_space<hbm>>
      tpu.enqueue_dma source(%dma_start3A_193 : memref<1600xi32, #tpu.memory_space<hbm>>) target(%arg5 : memref<1600xi32, #tpu.memory_space<vmem>>) target_semaphore(%run_scoped3A : memref<!tpu.dma_semaphore, #tpu.memory_space<semaphore_mem>>)
      %dma_wait3A_194 = tpu.memref_slice %arg3[%multiple_of3A_20] : memref<819200xi32, #tpu.memory_space<hbm>> -> memref<1600xi32, #tpu.memory_space<hbm>>
      %dma_wait3A_195 = tpu.memref_slice %arg3[%multiple_of3A_20] : memref<819200xi32, #tpu.memory_space<hbm>> -> memref<1600xi32, #tpu.memory_space<hbm>>
      tpu.wait_dma2 semaphore(%run_scoped3A : memref<!tpu.dma_semaphore, #tpu.memory_space<semaphore_mem>>) src(%dma_wait3A_195 : memref<1600xi32, #tpu.memory_space<hbm>>) dst(%arg5 : memref<1600xi32, #tpu.memory_space<vmem>>)
      tpu.yield
    }) : () -> ()
    %dma_wait3A_21 = arith.constant 0 : i32
    %dma_wait3A_22 = arith.constant 0 : i32
    %dma_wait3A_23 = tpu.memref_slice %arg2[%dma_wait3A_21, %dma_wait3A_22] : memref<1048576x32xf32, #tpu.memory_space<hbm>> -> memref<1048576x32xf32, #tpu.memory_space<hbm>>
    tpu.wait_indirect_dma semaphore(%arg10 : memref<!tpu.dma_semaphore, #tpu.memory_space<semaphore_mem>>) src(%dma_wait3A_23 : memref<1048576x32xf32, #tpu.memory_space<hbm>>) dst(%arg8 : memref<1600x32xf32, #tpu.memory_space<vmem>>)
    %dma_start3A_24 = arith.constant 0 : i32
    %dma_start3A_25 = arith.constant 0 : i32
    %dma_start3A_26 = tpu.memref_slice %arg2[%dma_start3A_24, %dma_start3A_25] : memref<1048576x32xf32, #tpu.memory_space<hbm>> -> memref<1048576x32xf32, #tpu.memory_space<hbm>>
    tpu.enqueue_indirect_dma source(%dma_start3A_26 : memref<1048576x32xf32, #tpu.memory_space<hbm>>) target(%arg7 : memref<1600x32xf32, #tpu.memory_space<vmem>>) offsets(%arg5 : memref<1600xi32, #tpu.memory_space<vmem>>) semaphore(%arg9 : memref<!tpu.dma_semaphore, #tpu.memory_space<semaphore_mem>>)
    %add3A_27 = arith.constant 1600 : i32
    %add3A_28 = arith.addi %mul3A_2, %add3A_27 : i32
    %multiple_of3A_29 = tpu.assume_multiple %add3A_28, 8 : i32
    "tpu.region"() ({
      %run_scoped3A = tpu.sem_alloc : memref<!tpu.dma_semaphore, #tpu.memory_space<semaphore_mem>>
      %dma_start3A_192 = arith.constant 0 : i32
      %dma_start3A_193 = tpu.memref_slice %arg4[%multiple_of3A_29, %dma_start3A_192] : memref<819200x32xf32, #tpu.memory_space<hbm>> -> memref<1600x32xf32, #tpu.memory_space<hbm>>
      %dma_start3A_194 = arith.constant 0 : i32
      %dma_start3A_195 = tpu.memref_slice %arg4[%multiple_of3A_29, %dma_start3A_194] : memref<819200x32xf32, #tpu.memory_space<hbm>> -> memref<1600x32xf32, #tpu.memory_space<hbm>>
      tpu.enqueue_dma source(%arg8 : memref<1600x32xf32, #tpu.memory_space<vmem>>) target(%dma_start3A_195 : memref<1600x32xf32, #tpu.memory_space<hbm>>) target_semaphore(%run_scoped3A : memref<!tpu.dma_semaphore, #tpu.memory_space<semaphore_mem>>)
      %dma_wait3A_196 = arith.constant 0 : i32
      %dma_wait3A_197 = tpu.memref_slice %arg4[%multiple_of3A_29, %dma_wait3A_196] : memref<819200x32xf32, #tpu.memory_space<hbm>> -> memref<1600x32xf32, #tpu.memory_space<hbm>>
      %dma_wait3A_198 = arith.constant 0 : i32
      %dma_wait3A_199 = tpu.memref_slice %arg4[%multiple_of3A_29, %dma_wait3A_198] : memref<819200x32xf32, #tpu.memory_space<hbm>> -> memref<1600x32xf32, #tpu.memory_space<hbm>>
      tpu.wait_dma2 semaphore(%run_scoped3A : memref<!tpu.dma_semaphore, #tpu.memory_space<semaphore_mem>>) src(%arg8 : memref<1600x32xf32, #tpu.memory_space<vmem>>) dst(%dma_wait3A_199 : memref<1600x32xf32, #tpu.memory_space<hbm>>)
      tpu.yield
    }) : () -> ()
    %add3A_30 = arith.constant 4800 : i32
    %add3A_31 = arith.addi %mul3A_2, %add3A_30 : i32
    %multiple_of3A_32 = tpu.assume_multiple %add3A_31, 8 : i32
    "tpu.region"() ({
      %run_scoped3A = tpu.sem_alloc : memref<!tpu.dma_semaphore, #tpu.memory_space<semaphore_mem>>
      %dma_start3A_192 = tpu.memref_slice %arg3[%multiple_of3A_32] : memref<819200xi32, #tpu.memory_space<hbm>> -> memref<1600xi32, #tpu.memory_space<hbm>>
      %dma_start3A_193 = tpu.memref_slice %arg3[%multiple_of3A_32] : memref<819200xi32, #tpu.memory_space<hbm>> -> memref<1600xi32, #tpu.memory_space<hbm>>
      tpu.enqueue_dma source(%dma_start3A_193 : memref<1600xi32, #tpu.memory_space<hbm>>) target(%arg6 : memref<1600xi32, #tpu.memory_space<vmem>>) target_semaphore(%run_scoped3A : memref<!tpu.dma_semaphore, #tpu.memory_space<semaphore_mem>>)
      %dma_wait3A_194 = tpu.memref_slice %arg3[%multiple_of3A_32] : memref<819200xi32, #tpu.memory_space<hbm>> -> memref<1600xi32, #tpu.memory_space<hbm>>
      %dma_wait3A_195 = tpu.memref_slice %arg3[%multiple_of3A_32] : memref<819200xi32, #tpu.memory_space<hbm>> -> memref<1600xi32, #tpu.memory_space<hbm>>
      tpu.wait_dma2 semaphore(%run_scoped3A : memref<!tpu.dma_semaphore, #tpu.memory_space<semaphore_mem>>) src(%dma_wait3A_195 : memref<1600xi32, #tpu.memory_space<hbm>>) dst(%arg6 : memref<1600xi32, #tpu.memory_space<vmem>>)
      tpu.yield
    }) : () -> ()
    %dma_wait3A_33 = arith.constant 0 : i32
    %dma_wait3A_34 = arith.constant 0 : i32
    %dma_wait3A_35 = tpu.memref_slice %arg2[%dma_wait3A_33, %dma_wait3A_34] : memref<1048576x32xf32, #tpu.memory_space<hbm>> -> memref<1048576x32xf32, #tpu.memory_space<hbm>>
    tpu.wait_indirect_dma semaphore(%arg9 : memref<!tpu.dma_semaphore, #tpu.memory_space<semaphore_mem>>) src(%dma_wait3A_35 : memref<1048576x32xf32, #tpu.memory_space<hbm>>) dst(%arg7 : memref<1600x32xf32, #tpu.memory_space<vmem>>)
    %dma_start3A_36 = arith.constant 0 : i32
    %dma_start3A_37 = arith.constant 0 : i32
    %dma_start3A_38 = tpu.memref_slice %arg2[%dma_start3A_36, %dma_start3A_37] : memref<1048576x32xf32, #tpu.memory_space<hbm>> -> memref<1048576x32xf32, #tpu.memory_space<hbm>>
    tpu.enqueue_indirect_dma source(%dma_start3A_38 : memref<1048576x32xf32, #tpu.memory_space<hbm>>) target(%arg8 : memref<1600x32xf32, #tpu.memory_space<vmem>>) offsets(%arg6 : memref<1600xi32, #tpu.memory_space<vmem>>) semaphore(%arg10 : memref<!tpu.dma_semaphore, #tpu.memory_space<semaphore_mem>>)
    %add3A_39 = arith.constant 3200 : i32
    %add3A_40 = arith.addi %mul3A_2, %add3A_39 : i32
    %multiple_of3A_41 = tpu.assume_multiple %add3A_40, 8 : i32
    "tpu.region"() ({
      %run_scoped3A = tpu.sem_alloc : memref<!tpu.dma_semaphore, #tpu.memory_space<semaphore_mem>>
      %dma_start3A_192 = arith.constant 0 : i32
      %dma_start3A_193 = tpu.memref_slice %arg4[%multiple_of3A_41, %dma_start3A_192] : memref<819200x32xf32, #tpu.memory_space<hbm>> -> memref<1600x32xf32, #tpu.memory_space<hbm>>
      %dma_start3A_194 = arith.constant 0 : i32
      %dma_start3A_195 = tpu.memref_slice %arg4[%multiple_of3A_41, %dma_start3A_194] : memref<819200x32xf32, #tpu.memory_space<hbm>> -> memref<1600x32xf32, #tpu.memory_space<hbm>>
      tpu.enqueue_dma source(%arg7 : memref<1600x32xf32, #tpu.memory_space<vmem>>) target(%dma_start3A_195 : memref<1600x32xf32, #tpu.memory_space<hbm>>) target_semaphore(%run_scoped3A : memref<!tpu.dma_semaphore, #tpu.memory_space<semaphore_mem>>)
      %dma_wait3A_196 = arith.constant 0 : i32
      %dma_wait3A_197 = tpu.memref_slice %arg4[%multiple_of3A_41, %dma_wait3A_196] : memref<819200x32xf32, #tpu.memory_space<hbm>> -> memref<1600x32xf32, #tpu.memory_space<hbm>>
      %dma_wait3A_198 = arith.constant 0 : i32
      %dma_wait3A_199 = tpu.memref_slice %arg4[%multiple_of3A_41, %dma_wait3A_198] : memref<819200x32xf32, #tpu.memory_space<hbm>> -> memref<1600x32xf32, #tpu.memory_space<hbm>>
      tpu.wait_dma2 semaphore(%run_scoped3A : memref<!tpu.dma_semaphore, #tpu.memory_space<semaphore_mem>>) src(%arg7 : memref<1600x32xf32, #tpu.memory_space<vmem>>) dst(%dma_wait3A_199 : memref<1600x32xf32, #tpu.memory_space<hbm>>)
      tpu.yield
    }) : () -> ()
    %add3A_42 = arith.constant 6400 : i32
    %add3A_43 = arith.addi %mul3A_2, %add3A_42 : i32
    %multiple_of3A_44 = tpu.assume_multiple %add3A_43, 8 : i32
    "tpu.region"() ({
      %run_scoped3A = tpu.sem_alloc : memref<!tpu.dma_semaphore, #tpu.memory_space<semaphore_mem>>
      %dma_start3A_192 = tpu.memref_slice %arg3[%multiple_of3A_44] : memref<819200xi32, #tpu.memory_space<hbm>> -> memref<1600xi32, #tpu.memory_space<hbm>>
      %dma_start3A_193 = tpu.memref_slice %arg3[%multiple_of3A_44] : memref<819200xi32, #tpu.memory_space<hbm>> -> memref<1600xi32, #tpu.memory_space<hbm>>
      tpu.enqueue_dma source(%dma_start3A_193 : memref<1600xi32, #tpu.memory_space<hbm>>) target(%arg5 : memref<1600xi32, #tpu.memory_space<vmem>>) target_semaphore(%run_scoped3A : memref<!tpu.dma_semaphore, #tpu.memory_space<semaphore_mem>>)
      %dma_wait3A_194 = tpu.memref_slice %arg3[%multiple_of3A_44] : memref<819200xi32, #tpu.memory_space<hbm>> -> memref<1600xi32, #tpu.memory_space<hbm>>
      %dma_wait3A_195 = tpu.memref_slice %arg3[%multiple_of3A_44] : memref<819200xi32, #tpu.memory_space<hbm>> -> memref<1600xi32, #tpu.memory_space<hbm>>
      tpu.wait_dma2 semaphore(%run_scoped3A : memref<!tpu.dma_semaphore, #tpu.memory_space<semaphore_mem>>) src(%dma_wait3A_195 : memref<1600xi32, #tpu.memory_space<hbm>>) dst(%arg5 : memref<1600xi32, #tpu.memory_space<vmem>>)
      tpu.yield
    }) : () -> ()
    %dma_wait3A_45 = arith.constant 0 : i32
    %dma_wait3A_46 = arith.constant 0 : i32
    %dma_wait3A_47 = tpu.memref_slice %arg2[%dma_wait3A_45, %dma_wait3A_46] : memref<1048576x32xf32, #tpu.memory_space<hbm>> -> memref<1048576x32xf32, #tpu.memory_space<hbm>>
    tpu.wait_indirect_dma semaphore(%arg10 : memref<!tpu.dma_semaphore, #tpu.memory_space<semaphore_mem>>) src(%dma_wait3A_47 : memref<1048576x32xf32, #tpu.memory_space<hbm>>) dst(%arg8 : memref<1600x32xf32, #tpu.memory_space<vmem>>)
    %dma_start3A_48 = arith.constant 0 : i32
    %dma_start3A_49 = arith.constant 0 : i32
    %dma_start3A_50 = tpu.memref_slice %arg2[%dma_start3A_48, %dma_start3A_49] : memref<1048576x32xf32, #tpu.memory_space<hbm>> -> memref<1048576x32xf32, #tpu.memory_space<hbm>>
    tpu.enqueue_indirect_dma source(%dma_start3A_50 : memref<1048576x32xf32, #tpu.memory_space<hbm>>) target(%arg7 : memref<1600x32xf32, #tpu.memory_space<vmem>>) offsets(%arg5 : memref<1600xi32, #tpu.memory_space<vmem>>) semaphore(%arg9 : memref<!tpu.dma_semaphore, #tpu.memory_space<semaphore_mem>>)
    %add3A_51 = arith.constant 4800 : i32
    %add3A_52 = arith.addi %mul3A_2, %add3A_51 : i32
    %multiple_of3A_53 = tpu.assume_multiple %add3A_52, 8 : i32
    "tpu.region"() ({
      %run_scoped3A = tpu.sem_alloc : memref<!tpu.dma_semaphore, #tpu.memory_space<semaphore_mem>>
      %dma_start3A_192 = arith.constant 0 : i32
      %dma_start3A_193 = tpu.memref_slice %arg4[%multiple_of3A_53, %dma_start3A_192] : memref<819200x32xf32, #tpu.memory_space<hbm>> -> memref<1600x32xf32, #tpu.memory_space<hbm>>
      %dma_start3A_194 = arith.constant 0 : i32
      %dma_start3A_195 = tpu.memref_slice %arg4[%multiple_of3A_53, %dma_start3A_194] : memref<819200x32xf32, #tpu.memory_space<hbm>> -> memref<1600x32xf32, #tpu.memory_space<hbm>>
      tpu.enqueue_dma source(%arg8 : memref<1600x32xf32, #tpu.memory_space<vmem>>) target(%dma_start3A_195 : memref<1600x32xf32, #tpu.memory_space<hbm>>) target_semaphore(%run_scoped3A : memref<!tpu.dma_semaphore, #tpu.memory_space<semaphore_mem>>)
      %dma_wait3A_196 = arith.constant 0 : i32
      %dma_wait3A_197 = tpu.memref_slice %arg4[%multiple_of3A_53, %dma_wait3A_196] : memref<819200x32xf32, #tpu.memory_space<hbm>> -> memref<1600x32xf32, #tpu.memory_space<hbm>>
      %dma_wait3A_198 = arith.constant 0 : i32
      %dma_wait3A_199 = tpu.memref_slice %arg4[%multiple_of3A_53, %dma_wait3A_198] : memref<819200x32xf32, #tpu.memory_space<hbm>> -> memref<1600x32xf32, #tpu.memory_space<hbm>>
      tpu.wait_dma2 semaphore(%run_scoped3A : memref<!tpu.dma_semaphore, #tpu.memory_space<semaphore_mem>>) src(%arg8 : memref<1600x32xf32, #tpu.memory_space<vmem>>) dst(%dma_wait3A_199 : memref<1600x32xf32, #tpu.memory_space<hbm>>)
      tpu.yield
    }) : () -> ()
    %add3A_54 = arith.constant 8000 : i32
    %add3A_55 = arith.addi %mul3A_2, %add3A_54 : i32
    %multiple_of3A_56 = tpu.assume_multiple %add3A_55, 8 : i32
    "tpu.region"() ({
      %run_scoped3A = tpu.sem_alloc : memref<!tpu.dma_semaphore, #tpu.memory_space<semaphore_mem>>
      %dma_start3A_192 = tpu.memref_slice %arg3[%multiple_of3A_56] : memref<819200xi32, #tpu.memory_space<hbm>> -> memref<1600xi32, #tpu.memory_space<hbm>>
      %dma_start3A_193 = tpu.memref_slice %arg3[%multiple_of3A_56] : memref<819200xi32, #tpu.memory_space<hbm>> -> memref<1600xi32, #tpu.memory_space<hbm>>
      tpu.enqueue_dma source(%dma_start3A_193 : memref<1600xi32, #tpu.memory_space<hbm>>) target(%arg6 : memref<1600xi32, #tpu.memory_space<vmem>>) target_semaphore(%run_scoped3A : memref<!tpu.dma_semaphore, #tpu.memory_space<semaphore_mem>>)
      %dma_wait3A_194 = tpu.memref_slice %arg3[%multiple_of3A_56] : memref<819200xi32, #tpu.memory_space<hbm>> -> memref<1600xi32, #tpu.memory_space<hbm>>
      %dma_wait3A_195 = tpu.memref_slice %arg3[%multiple_of3A_56] : memref<819200xi32, #tpu.memory_space<hbm>> -> memref<1600xi32, #tpu.memory_space<hbm>>
      tpu.wait_dma2 semaphore(%run_scoped3A : memref<!tpu.dma_semaphore, #tpu.memory_space<semaphore_mem>>) src(%dma_wait3A_195 : memref<1600xi32, #tpu.memory_space<hbm>>) dst(%arg6 : memref<1600xi32, #tpu.memory_space<vmem>>)
      tpu.yield
    }) : () -> ()
    %dma_wait3A_57 = arith.constant 0 : i32
    %dma_wait3A_58 = arith.constant 0 : i32
    %dma_wait3A_59 = tpu.memref_slice %arg2[%dma_wait3A_57, %dma_wait3A_58] : memref<1048576x32xf32, #tpu.memory_space<hbm>> -> memref<1048576x32xf32, #tpu.memory_space<hbm>>
    tpu.wait_indirect_dma semaphore(%arg9 : memref<!tpu.dma_semaphore, #tpu.memory_space<semaphore_mem>>) src(%dma_wait3A_59 : memref<1048576x32xf32, #tpu.memory_space<hbm>>) dst(%arg7 : memref<1600x32xf32, #tpu.memory_space<vmem>>)
    %dma_start3A_60 = arith.constant 0 : i32
    %dma_start3A_61 = arith.constant 0 : i32
    %dma_start3A_62 = tpu.memref_slice %arg2[%dma_start3A_60, %dma_start3A_61] : memref<1048576x32xf32, #tpu.memory_space<hbm>> -> memref<1048576x32xf32, #tpu.memory_space<hbm>>
    tpu.enqueue_indirect_dma source(%dma_start3A_62 : memref<1048576x32xf32, #tpu.memory_space<hbm>>) target(%arg8 : memref<1600x32xf32, #tpu.memory_space<vmem>>) offsets(%arg6 : memref<1600xi32, #tpu.memory_space<vmem>>) semaphore(%arg10 : memref<!tpu.dma_semaphore, #tpu.memory_space<semaphore_mem>>)
    %add3A_63 = arith.constant 6400 : i32
    %add3A_64 = arith.addi %mul3A_2, %add3A_63 : i32
    %multiple_of3A_65 = tpu.assume_multiple %add3A_64, 8 : i32
    "tpu.region"() ({
      %run_scoped3A = tpu.sem_alloc : memref<!tpu.dma_semaphore, #tpu.memory_space<semaphore_mem>>
      %dma_start3A_192 = arith.constant 0 : i32
      %dma_start3A_193 = tpu.memref_slice %arg4[%multiple_of3A_65, %dma_start3A_192] : memref<819200x32xf32, #tpu.memory_space<hbm>> -> memref<1600x32xf32, #tpu.memory_space<hbm>>
      %dma_start3A_194 = arith.constant 0 : i32
      %dma_start3A_195 = tpu.memref_slice %arg4[%multiple_of3A_65, %dma_start3A_194] : memref<819200x32xf32, #tpu.memory_space<hbm>> -> memref<1600x32xf32, #tpu.memory_space<hbm>>
      tpu.enqueue_dma source(%arg7 : memref<1600x32xf32, #tpu.memory_space<vmem>>) target(%dma_start3A_195 : memref<1600x32xf32, #tpu.memory_space<hbm>>) target_semaphore(%run_scoped3A : memref<!tpu.dma_semaphore, #tpu.memory_space<semaphore_mem>>)
      %dma_wait3A_196 = arith.constant 0 : i32
      %dma_wait3A_197 = tpu.memref_slice %arg4[%multiple_of3A_65, %dma_wait3A_196] : memref<819200x32xf32, #tpu.memory_space<hbm>> -> memref<1600x32xf32, #tpu.memory_space<hbm>>
      %dma_wait3A_198 = arith.constant 0 : i32
      %dma_wait3A_199 = tpu.memref_slice %arg4[%multiple_of3A_65, %dma_wait3A_198] : memref<819200x32xf32, #tpu.memory_space<hbm>> -> memref<1600x32xf32, #tpu.memory_space<hbm>>
      tpu.wait_dma2 semaphore(%run_scoped3A : memref<!tpu.dma_semaphore, #tpu.memory_space<semaphore_mem>>) src(%arg7 : memref<1600x32xf32, #tpu.memory_space<vmem>>) dst(%dma_wait3A_199 : memref<1600x32xf32, #tpu.memory_space<hbm>>)
      tpu.yield
    }) : () -> ()
    %add3A_66 = arith.constant 9600 : i32
    %add3A_67 = arith.addi %mul3A_2, %add3A_66 : i32
    %multiple_of3A_68 = tpu.assume_multiple %add3A_67, 8 : i32
    "tpu.region"() ({
      %run_scoped3A = tpu.sem_alloc : memref<!tpu.dma_semaphore, #tpu.memory_space<semaphore_mem>>
      %dma_start3A_192 = tpu.memref_slice %arg3[%multiple_of3A_68] : memref<819200xi32, #tpu.memory_space<hbm>> -> memref<1600xi32, #tpu.memory_space<hbm>>
      %dma_start3A_193 = tpu.memref_slice %arg3[%multiple_of3A_68] : memref<819200xi32, #tpu.memory_space<hbm>> -> memref<1600xi32, #tpu.memory_space<hbm>>
      tpu.enqueue_dma source(%dma_start3A_193 : memref<1600xi32, #tpu.memory_space<hbm>>) target(%arg5 : memref<1600xi32, #tpu.memory_space<vmem>>) target_semaphore(%run_scoped3A : memref<!tpu.dma_semaphore, #tpu.memory_space<semaphore_mem>>)
      %dma_wait3A_194 = tpu.memref_slice %arg3[%multiple_of3A_68] : memref<819200xi32, #tpu.memory_space<hbm>> -> memref<1600xi32, #tpu.memory_space<hbm>>
      %dma_wait3A_195 = tpu.memref_slice %arg3[%multiple_of3A_68] : memref<819200xi32, #tpu.memory_space<hbm>> -> memref<1600xi32, #tpu.memory_space<hbm>>
      tpu.wait_dma2 semaphore(%run_scoped3A : memref<!tpu.dma_semaphore, #tpu.memory_space<semaphore_mem>>) src(%dma_wait3A_195 : memref<1600xi32, #tpu.memory_space<hbm>>) dst(%arg5 : memref<1600xi32, #tpu.memory_space<vmem>>)
      tpu.yield
    }) : () -> ()
    %dma_wait3A_69 = arith.constant 0 : i32
    %dma_wait3A_70 = arith.constant 0 : i32
    %dma_wait3A_71 = tpu.memref_slice %arg2[%dma_wait3A_69, %dma_wait3A_70] : memref<1048576x32xf32, #tpu.memory_space<hbm>> -> memref<1048576x32xf32, #tpu.memory_space<hbm>>
    tpu.wait_indirect_dma semaphore(%arg10 : memref<!tpu.dma_semaphore, #tpu.memory_space<semaphore_mem>>) src(%dma_wait3A_71 : memref<1048576x32xf32, #tpu.memory_space<hbm>>) dst(%arg8 : memref<1600x32xf32, #tpu.memory_space<vmem>>)
    %dma_start3A_72 = arith.constant 0 : i32
    %dma_start3A_73 = arith.constant 0 : i32
    %dma_start3A_74 = tpu.memref_slice %arg2[%dma_start3A_72, %dma_start3A_73] : memref<1048576x32xf32, #tpu.memory_space<hbm>> -> memref<1048576x32xf32, #tpu.memory_space<hbm>>
    tpu.enqueue_indirect_dma source(%dma_start3A_74 : memref<1048576x32xf32, #tpu.memory_space<hbm>>) target(%arg7 : memref<1600x32xf32, #tpu.memory_space<vmem>>) offsets(%arg5 : memref<1600xi32, #tpu.memory_space<vmem>>) semaphore(%arg9 : memref<!tpu.dma_semaphore, #tpu.memory_space<semaphore_mem>>)
    %add3A_75 = arith.constant 8000 : i32
    %add3A_76 = arith.addi %mul3A_2, %add3A_75 : i32
    %multiple_of3A_77 = tpu.assume_multiple %add3A_76, 8 : i32
    "tpu.region"() ({
      %run_scoped3A = tpu.sem_alloc : memref<!tpu.dma_semaphore, #tpu.memory_space<semaphore_mem>>
      %dma_start3A_192 = arith.constant 0 : i32
      %dma_start3A_193 = tpu.memref_slice %arg4[%multiple_of3A_77, %dma_start3A_192] : memref<819200x32xf32, #tpu.memory_space<hbm>> -> memref<1600x32xf32, #tpu.memory_space<hbm>>
      %dma_start3A_194 = arith.constant 0 : i32
      %dma_start3A_195 = tpu.memref_slice %arg4[%multiple_of3A_77, %dma_start3A_194] : memref<819200x32xf32, #tpu.memory_space<hbm>> -> memref<1600x32xf32, #tpu.memory_space<hbm>>
      tpu.enqueue_dma source(%arg8 : memref<1600x32xf32, #tpu.memory_space<vmem>>) target(%dma_start3A_195 : memref<1600x32xf32, #tpu.memory_space<hbm>>) target_semaphore(%run_scoped3A : memref<!tpu.dma_semaphore, #tpu.memory_space<semaphore_mem>>)
      %dma_wait3A_196 = arith.constant 0 : i32
      %dma_wait3A_197 = tpu.memref_slice %arg4[%multiple_of3A_77, %dma_wait3A_196] : memref<819200x32xf32, #tpu.memory_space<hbm>> -> memref<1600x32xf32, #tpu.memory_space<hbm>>
      %dma_wait3A_198 = arith.constant 0 : i32
      %dma_wait3A_199 = tpu.memref_slice %arg4[%multiple_of3A_77, %dma_wait3A_198] : memref<819200x32xf32, #tpu.memory_space<hbm>> -> memref<1600x32xf32, #tpu.memory_space<hbm>>
      tpu.wait_dma2 semaphore(%run_scoped3A : memref<!tpu.dma_semaphore, #tpu.memory_space<semaphore_mem>>) src(%arg8 : memref<1600x32xf32, #tpu.memory_space<vmem>>) dst(%dma_wait3A_199 : memref<1600x32xf32, #tpu.memory_space<hbm>>)
      tpu.yield
    }) : () -> ()
    %add3A_78 = arith.constant 11200 : i32
    %add3A_79 = arith.addi %mul3A_2, %add3A_78 : i32
    %multiple_of3A_80 = tpu.assume_multiple %add3A_79, 8 : i32
    "tpu.region"() ({
      %run_scoped3A = tpu.sem_alloc : memref<!tpu.dma_semaphore, #tpu.memory_space<semaphore_mem>>
      %dma_start3A_192 = tpu.memref_slice %arg3[%multiple_of3A_80] : memref<819200xi32, #tpu.memory_space<hbm>> -> memref<1600xi32, #tpu.memory_space<hbm>>
      %dma_start3A_193 = tpu.memref_slice %arg3[%multiple_of3A_80] : memref<819200xi32, #tpu.memory_space<hbm>> -> memref<1600xi32, #tpu.memory_space<hbm>>
      tpu.enqueue_dma source(%dma_start3A_193 : memref<1600xi32, #tpu.memory_space<hbm>>) target(%arg6 : memref<1600xi32, #tpu.memory_space<vmem>>) target_semaphore(%run_scoped3A : memref<!tpu.dma_semaphore, #tpu.memory_space<semaphore_mem>>)
      %dma_wait3A_194 = tpu.memref_slice %arg3[%multiple_of3A_80] : memref<819200xi32, #tpu.memory_space<hbm>> -> memref<1600xi32, #tpu.memory_space<hbm>>
      %dma_wait3A_195 = tpu.memref_slice %arg3[%multiple_of3A_80] : memref<819200xi32, #tpu.memory_space<hbm>> -> memref<1600xi32, #tpu.memory_space<hbm>>
      tpu.wait_dma2 semaphore(%run_scoped3A : memref<!tpu.dma_semaphore, #tpu.memory_space<semaphore_mem>>) src(%dma_wait3A_195 : memref<1600xi32, #tpu.memory_space<hbm>>) dst(%arg6 : memref<1600xi32, #tpu.memory_space<vmem>>)
      tpu.yield
    }) : () -> ()
    %dma_wait3A_81 = arith.constant 0 : i32
    %dma_wait3A_82 = arith.constant 0 : i32
    %dma_wait3A_83 = tpu.memref_slice %arg2[%dma_wait3A_81, %dma_wait3A_82] : memref<1048576x32xf32, #tpu.memory_space<hbm>> -> memref<1048576x32xf32, #tpu.memory_space<hbm>>
    tpu.wait_indirect_dma semaphore(%arg9 : memref<!tpu.dma_semaphore, #tpu.memory_space<semaphore_mem>>) src(%dma_wait3A_83 : memref<1048576x32xf32, #tpu.memory_space<hbm>>) dst(%arg7 : memref<1600x32xf32, #tpu.memory_space<vmem>>)
    %dma_start3A_84 = arith.constant 0 : i32
    %dma_start3A_85 = arith.constant 0 : i32
    %dma_start3A_86 = tpu.memref_slice %arg2[%dma_start3A_84, %dma_start3A_85] : memref<1048576x32xf32, #tpu.memory_space<hbm>> -> memref<1048576x32xf32, #tpu.memory_space<hbm>>
    tpu.enqueue_indirect_dma source(%dma_start3A_86 : memref<1048576x32xf32, #tpu.memory_space<hbm>>) target(%arg8 : memref<1600x32xf32, #tpu.memory_space<vmem>>) offsets(%arg6 : memref<1600xi32, #tpu.memory_space<vmem>>) semaphore(%arg10 : memref<!tpu.dma_semaphore, #tpu.memory_space<semaphore_mem>>)
    %add3A_87 = arith.constant 9600 : i32
    %add3A_88 = arith.addi %mul3A_2, %add3A_87 : i32
    %multiple_of3A_89 = tpu.assume_multiple %add3A_88, 8 : i32
    "tpu.region"() ({
      %run_scoped3A = tpu.sem_alloc : memref<!tpu.dma_semaphore, #tpu.memory_space<semaphore_mem>>
      %dma_start3A_192 = arith.constant 0 : i32
      %dma_start3A_193 = tpu.memref_slice %arg4[%multiple_of3A_89, %dma_start3A_192] : memref<819200x32xf32, #tpu.memory_space<hbm>> -> memref<1600x32xf32, #tpu.memory_space<hbm>>
      %dma_start3A_194 = arith.constant 0 : i32
      %dma_start3A_195 = tpu.memref_slice %arg4[%multiple_of3A_89, %dma_start3A_194] : memref<819200x32xf32, #tpu.memory_space<hbm>> -> memref<1600x32xf32, #tpu.memory_space<hbm>>
      tpu.enqueue_dma source(%arg7 : memref<1600x32xf32, #tpu.memory_space<vmem>>) target(%dma_start3A_195 : memref<1600x32xf32, #tpu.memory_space<hbm>>) target_semaphore(%run_scoped3A : memref<!tpu.dma_semaphore, #tpu.memory_space<semaphore_mem>>)
      %dma_wait3A_196 = arith.constant 0 : i32
      %dma_wait3A_197 = tpu.memref_slice %arg4[%multiple_of3A_89, %dma_wait3A_196] : memref<819200x32xf32, #tpu.memory_space<hbm>> -> memref<1600x32xf32, #tpu.memory_space<hbm>>
      %dma_wait3A_198 = arith.constant 0 : i32
      %dma_wait3A_199 = tpu.memref_slice %arg4[%multiple_of3A_89, %dma_wait3A_198] : memref<819200x32xf32, #tpu.memory_space<hbm>> -> memref<1600x32xf32, #tpu.memory_space<hbm>>
      tpu.wait_dma2 semaphore(%run_scoped3A : memref<!tpu.dma_semaphore, #tpu.memory_space<semaphore_mem>>) src(%arg7 : memref<1600x32xf32, #tpu.memory_space<vmem>>) dst(%dma_wait3A_199 : memref<1600x32xf32, #tpu.memory_space<hbm>>)
      tpu.yield
    }) : () -> ()
    %add3A_90 = arith.constant 12800 : i32
    %add3A_91 = arith.addi %mul3A_2, %add3A_90 : i32
    %multiple_of3A_92 = tpu.assume_multiple %add3A_91, 8 : i32
    "tpu.region"() ({
      %run_scoped3A = tpu.sem_alloc : memref<!tpu.dma_semaphore, #tpu.memory_space<semaphore_mem>>
      %dma_start3A_192 = tpu.memref_slice %arg3[%multiple_of3A_92] : memref<819200xi32, #tpu.memory_space<hbm>> -> memref<1600xi32, #tpu.memory_space<hbm>>
      %dma_start3A_193 = tpu.memref_slice %arg3[%multiple_of3A_92] : memref<819200xi32, #tpu.memory_space<hbm>> -> memref<1600xi32, #tpu.memory_space<hbm>>
      tpu.enqueue_dma source(%dma_start3A_193 : memref<1600xi32, #tpu.memory_space<hbm>>) target(%arg5 : memref<1600xi32, #tpu.memory_space<vmem>>) target_semaphore(%run_scoped3A : memref<!tpu.dma_semaphore, #tpu.memory_space<semaphore_mem>>)
      %dma_wait3A_194 = tpu.memref_slice %arg3[%multiple_of3A_92] : memref<819200xi32, #tpu.memory_space<hbm>> -> memref<1600xi32, #tpu.memory_space<hbm>>
      %dma_wait3A_195 = tpu.memref_slice %arg3[%multiple_of3A_92] : memref<819200xi32, #tpu.memory_space<hbm>> -> memref<1600xi32, #tpu.memory_space<hbm>>
      tpu.wait_dma2 semaphore(%run_scoped3A : memref<!tpu.dma_semaphore, #tpu.memory_space<semaphore_mem>>) src(%dma_wait3A_195 : memref<1600xi32, #tpu.memory_space<hbm>>) dst(%arg5 : memref<1600xi32, #tpu.memory_space<vmem>>)
      tpu.yield
    }) : () -> ()
    %dma_wait3A_93 = arith.constant 0 : i32
    %dma_wait3A_94 = arith.constant 0 : i32
    %dma_wait3A_95 = tpu.memref_slice %arg2[%dma_wait3A_93, %dma_wait3A_94] : memref<1048576x32xf32, #tpu.memory_space<hbm>> -> memref<1048576x32xf32, #tpu.memory_space<hbm>>
    tpu.wait_indirect_dma semaphore(%arg10 : memref<!tpu.dma_semaphore, #tpu.memory_space<semaphore_mem>>) src(%dma_wait3A_95 : memref<1048576x32xf32, #tpu.memory_space<hbm>>) dst(%arg8 : memref<1600x32xf32, #tpu.memory_space<vmem>>)
    %dma_start3A_96 = arith.constant 0 : i32
    %dma_start3A_97 = arith.constant 0 : i32
    %dma_start3A_98 = tpu.memref_slice %arg2[%dma_start3A_96, %dma_start3A_97] : memref<1048576x32xf32, #tpu.memory_space<hbm>> -> memref<1048576x32xf32, #tpu.memory_space<hbm>>
    tpu.enqueue_indirect_dma source(%dma_start3A_98 : memref<1048576x32xf32, #tpu.memory_space<hbm>>) target(%arg7 : memref<1600x32xf32, #tpu.memory_space<vmem>>) offsets(%arg5 : memref<1600xi32, #tpu.memory_space<vmem>>) semaphore(%arg9 : memref<!tpu.dma_semaphore, #tpu.memory_space<semaphore_mem>>)
    %add3A_99 = arith.constant 11200 : i32
    %add3A_100 = arith.addi %mul3A_2, %add3A_99 : i32
    %multiple_of3A_101 = tpu.assume_multiple %add3A_100, 8 : i32
    "tpu.region"() ({
      %run_scoped3A = tpu.sem_alloc : memref<!tpu.dma_semaphore, #tpu.memory_space<semaphore_mem>>
      %dma_start3A_192 = arith.constant 0 : i32
      %dma_start3A_193 = tpu.memref_slice %arg4[%multiple_of3A_101, %dma_start3A_192] : memref<819200x32xf32, #tpu.memory_space<hbm>> -> memref<1600x32xf32, #tpu.memory_space<hbm>>
      %dma_start3A_194 = arith.constant 0 : i32
      %dma_start3A_195 = tpu.memref_slice %arg4[%multiple_of3A_101, %dma_start3A_194] : memref<819200x32xf32, #tpu.memory_space<hbm>> -> memref<1600x32xf32, #tpu.memory_space<hbm>>
      tpu.enqueue_dma source(%arg8 : memref<1600x32xf32, #tpu.memory_space<vmem>>) target(%dma_start3A_195 : memref<1600x32xf32, #tpu.memory_space<hbm>>) target_semaphore(%run_scoped3A : memref<!tpu.dma_semaphore, #tpu.memory_space<semaphore_mem>>)
      %dma_wait3A_196 = arith.constant 0 : i32
      %dma_wait3A_197 = tpu.memref_slice %arg4[%multiple_of3A_101, %dma_wait3A_196] : memref<819200x32xf32, #tpu.memory_space<hbm>> -> memref<1600x32xf32, #tpu.memory_space<hbm>>
      %dma_wait3A_198 = arith.constant 0 : i32
      %dma_wait3A_199 = tpu.memref_slice %arg4[%multiple_of3A_101, %dma_wait3A_198] : memref<819200x32xf32, #tpu.memory_space<hbm>> -> memref<1600x32xf32, #tpu.memory_space<hbm>>
      tpu.wait_dma2 semaphore(%run_scoped3A : memref<!tpu.dma_semaphore, #tpu.memory_space<semaphore_mem>>) src(%arg8 : memref<1600x32xf32, #tpu.memory_space<vmem>>) dst(%dma_wait3A_199 : memref<1600x32xf32, #tpu.memory_space<hbm>>)
      tpu.yield
    }) : () -> ()
    %add3A_102 = arith.constant 14400 : i32
    %add3A_103 = arith.addi %mul3A_2, %add3A_102 : i32
    %multiple_of3A_104 = tpu.assume_multiple %add3A_103, 8 : i32
    "tpu.region"() ({
      %run_scoped3A = tpu.sem_alloc : memref<!tpu.dma_semaphore, #tpu.memory_space<semaphore_mem>>
      %dma_start3A_192 = tpu.memref_slice %arg3[%multiple_of3A_104] : memref<819200xi32, #tpu.memory_space<hbm>> -> memref<1600xi32, #tpu.memory_space<hbm>>
      %dma_start3A_193 = tpu.memref_slice %arg3[%multiple_of3A_104] : memref<819200xi32, #tpu.memory_space<hbm>> -> memref<1600xi32, #tpu.memory_space<hbm>>
      tpu.enqueue_dma source(%dma_start3A_193 : memref<1600xi32, #tpu.memory_space<hbm>>) target(%arg6 : memref<1600xi32, #tpu.memory_space<vmem>>) target_semaphore(%run_scoped3A : memref<!tpu.dma_semaphore, #tpu.memory_space<semaphore_mem>>)
      %dma_wait3A_194 = tpu.memref_slice %arg3[%multiple_of3A_104] : memref<819200xi32, #tpu.memory_space<hbm>> -> memref<1600xi32, #tpu.memory_space<hbm>>
      %dma_wait3A_195 = tpu.memref_slice %arg3[%multiple_of3A_104] : memref<819200xi32, #tpu.memory_space<hbm>> -> memref<1600xi32, #tpu.memory_space<hbm>>
      tpu.wait_dma2 semaphore(%run_scoped3A : memref<!tpu.dma_semaphore, #tpu.memory_space<semaphore_mem>>) src(%dma_wait3A_195 : memref<1600xi32, #tpu.memory_space<hbm>>) dst(%arg6 : memref<1600xi32, #tpu.memory_space<vmem>>)
      tpu.yield
    }) : () -> ()
    %dma_wait3A_105 = arith.constant 0 : i32
    %dma_wait3A_106 = arith.constant 0 : i32
    %dma_wait3A_107 = tpu.memref_slice %arg2[%dma_wait3A_105, %dma_wait3A_106] : memref<1048576x32xf32, #tpu.memory_space<hbm>> -> memref<1048576x32xf32, #tpu.memory_space<hbm>>
    tpu.wait_indirect_dma semaphore(%arg9 : memref<!tpu.dma_semaphore, #tpu.memory_space<semaphore_mem>>) src(%dma_wait3A_107 : memref<1048576x32xf32, #tpu.memory_space<hbm>>) dst(%arg7 : memref<1600x32xf32, #tpu.memory_space<vmem>>)
    %dma_start3A_108 = arith.constant 0 : i32
    %dma_start3A_109 = arith.constant 0 : i32
    %dma_start3A_110 = tpu.memref_slice %arg2[%dma_start3A_108, %dma_start3A_109] : memref<1048576x32xf32, #tpu.memory_space<hbm>> -> memref<1048576x32xf32, #tpu.memory_space<hbm>>
    tpu.enqueue_indirect_dma source(%dma_start3A_110 : memref<1048576x32xf32, #tpu.memory_space<hbm>>) target(%arg8 : memref<1600x32xf32, #tpu.memory_space<vmem>>) offsets(%arg6 : memref<1600xi32, #tpu.memory_space<vmem>>) semaphore(%arg10 : memref<!tpu.dma_semaphore, #tpu.memory_space<semaphore_mem>>)
    %add3A_111 = arith.constant 12800 : i32
    %add3A_112 = arith.addi %mul3A_2, %add3A_111 : i32
    %multiple_of3A_113 = tpu.assume_multiple %add3A_112, 8 : i32
    "tpu.region"() ({
      %run_scoped3A = tpu.sem_alloc : memref<!tpu.dma_semaphore, #tpu.memory_space<semaphore_mem>>
      %dma_start3A_192 = arith.constant 0 : i32
      %dma_start3A_193 = tpu.memref_slice %arg4[%multiple_of3A_113, %dma_start3A_192] : memref<819200x32xf32, #tpu.memory_space<hbm>> -> memref<1600x32xf32, #tpu.memory_space<hbm>>
      %dma_start3A_194 = arith.constant 0 : i32
      %dma_start3A_195 = tpu.memref_slice %arg4[%multiple_of3A_113, %dma_start3A_194] : memref<819200x32xf32, #tpu.memory_space<hbm>> -> memref<1600x32xf32, #tpu.memory_space<hbm>>
      tpu.enqueue_dma source(%arg7 : memref<1600x32xf32, #tpu.memory_space<vmem>>) target(%dma_start3A_195 : memref<1600x32xf32, #tpu.memory_space<hbm>>) target_semaphore(%run_scoped3A : memref<!tpu.dma_semaphore, #tpu.memory_space<semaphore_mem>>)
      %dma_wait3A_196 = arith.constant 0 : i32
      %dma_wait3A_197 = tpu.memref_slice %arg4[%multiple_of3A_113, %dma_wait3A_196] : memref<819200x32xf32, #tpu.memory_space<hbm>> -> memref<1600x32xf32, #tpu.memory_space<hbm>>
      %dma_wait3A_198 = arith.constant 0 : i32
      %dma_wait3A_199 = tpu.memref_slice %arg4[%multiple_of3A_113, %dma_wait3A_198] : memref<819200x32xf32, #tpu.memory_space<hbm>> -> memref<1600x32xf32, #tpu.memory_space<hbm>>
      tpu.wait_dma2 semaphore(%run_scoped3A : memref<!tpu.dma_semaphore, #tpu.memory_space<semaphore_mem>>) src(%arg7 : memref<1600x32xf32, #tpu.memory_space<vmem>>) dst(%dma_wait3A_199 : memref<1600x32xf32, #tpu.memory_space<hbm>>)
      tpu.yield
    }) : () -> ()
    %add3A_114 = arith.constant 16000 : i32
    %add3A_115 = arith.addi %mul3A_2, %add3A_114 : i32
    %multiple_of3A_116 = tpu.assume_multiple %add3A_115, 8 : i32
    "tpu.region"() ({
      %run_scoped3A = tpu.sem_alloc : memref<!tpu.dma_semaphore, #tpu.memory_space<semaphore_mem>>
      %dma_start3A_192 = tpu.memref_slice %arg3[%multiple_of3A_116] : memref<819200xi32, #tpu.memory_space<hbm>> -> memref<1600xi32, #tpu.memory_space<hbm>>
      %dma_start3A_193 = tpu.memref_slice %arg3[%multiple_of3A_116] : memref<819200xi32, #tpu.memory_space<hbm>> -> memref<1600xi32, #tpu.memory_space<hbm>>
      tpu.enqueue_dma source(%dma_start3A_193 : memref<1600xi32, #tpu.memory_space<hbm>>) target(%arg5 : memref<1600xi32, #tpu.memory_space<vmem>>) target_semaphore(%run_scoped3A : memref<!tpu.dma_semaphore, #tpu.memory_space<semaphore_mem>>)
      %dma_wait3A_194 = tpu.memref_slice %arg3[%multiple_of3A_116] : memref<819200xi32, #tpu.memory_space<hbm>> -> memref<1600xi32, #tpu.memory_space<hbm>>
      %dma_wait3A_195 = tpu.memref_slice %arg3[%multiple_of3A_116] : memref<819200xi32, #tpu.memory_space<hbm>> -> memref<1600xi32, #tpu.memory_space<hbm>>
      tpu.wait_dma2 semaphore(%run_scoped3A : memref<!tpu.dma_semaphore, #tpu.memory_space<semaphore_mem>>) src(%dma_wait3A_195 : memref<1600xi32, #tpu.memory_space<hbm>>) dst(%arg5 : memref<1600xi32, #tpu.memory_space<vmem>>)
      tpu.yield
    }) : () -> ()
    %dma_wait3A_117 = arith.constant 0 : i32
    %dma_wait3A_118 = arith.constant 0 : i32
    %dma_wait3A_119 = tpu.memref_slice %arg2[%dma_wait3A_117, %dma_wait3A_118] : memref<1048576x32xf32, #tpu.memory_space<hbm>> -> memref<1048576x32xf32, #tpu.memory_space<hbm>>
    tpu.wait_indirect_dma semaphore(%arg10 : memref<!tpu.dma_semaphore, #tpu.memory_space<semaphore_mem>>) src(%dma_wait3A_119 : memref<1048576x32xf32, #tpu.memory_space<hbm>>) dst(%arg8 : memref<1600x32xf32, #tpu.memory_space<vmem>>)
    %dma_start3A_120 = arith.constant 0 : i32
    %dma_start3A_121 = arith.constant 0 : i32
    %dma_start3A_122 = tpu.memref_slice %arg2[%dma_start3A_120, %dma_start3A_121] : memref<1048576x32xf32, #tpu.memory_space<hbm>> -> memref<1048576x32xf32, #tpu.memory_space<hbm>>
    tpu.enqueue_indirect_dma source(%dma_start3A_122 : memref<1048576x32xf32, #tpu.memory_space<hbm>>) target(%arg7 : memref<1600x32xf32, #tpu.memory_space<vmem>>) offsets(%arg5 : memref<1600xi32, #tpu.memory_space<vmem>>) semaphore(%arg9 : memref<!tpu.dma_semaphore, #tpu.memory_space<semaphore_mem>>)
    %add3A_123 = arith.constant 14400 : i32
    %add3A_124 = arith.addi %mul3A_2, %add3A_123 : i32
    %multiple_of3A_125 = tpu.assume_multiple %add3A_124, 8 : i32
    "tpu.region"() ({
      %run_scoped3A = tpu.sem_alloc : memref<!tpu.dma_semaphore, #tpu.memory_space<semaphore_mem>>
      %dma_start3A_192 = arith.constant 0 : i32
      %dma_start3A_193 = tpu.memref_slice %arg4[%multiple_of3A_125, %dma_start3A_192] : memref<819200x32xf32, #tpu.memory_space<hbm>> -> memref<1600x32xf32, #tpu.memory_space<hbm>>
      %dma_start3A_194 = arith.constant 0 : i32
      %dma_start3A_195 = tpu.memref_slice %arg4[%multiple_of3A_125, %dma_start3A_194] : memref<819200x32xf32, #tpu.memory_space<hbm>> -> memref<1600x32xf32, #tpu.memory_space<hbm>>
      tpu.enqueue_dma source(%arg8 : memref<1600x32xf32, #tpu.memory_space<vmem>>) target(%dma_start3A_195 : memref<1600x32xf32, #tpu.memory_space<hbm>>) target_semaphore(%run_scoped3A : memref<!tpu.dma_semaphore, #tpu.memory_space<semaphore_mem>>)
      %dma_wait3A_196 = arith.constant 0 : i32
      %dma_wait3A_197 = tpu.memref_slice %arg4[%multiple_of3A_125, %dma_wait3A_196] : memref<819200x32xf32, #tpu.memory_space<hbm>> -> memref<1600x32xf32, #tpu.memory_space<hbm>>
      %dma_wait3A_198 = arith.constant 0 : i32
      %dma_wait3A_199 = tpu.memref_slice %arg4[%multiple_of3A_125, %dma_wait3A_198] : memref<819200x32xf32, #tpu.memory_space<hbm>> -> memref<1600x32xf32, #tpu.memory_space<hbm>>
      tpu.wait_dma2 semaphore(%run_scoped3A : memref<!tpu.dma_semaphore, #tpu.memory_space<semaphore_mem>>) src(%arg8 : memref<1600x32xf32, #tpu.memory_space<vmem>>) dst(%dma_wait3A_199 : memref<1600x32xf32, #tpu.memory_space<hbm>>)
      tpu.yield
    }) : () -> ()
    %add3A_126 = arith.constant 17600 : i32
    %add3A_127 = arith.addi %mul3A_2, %add3A_126 : i32
    %multiple_of3A_128 = tpu.assume_multiple %add3A_127, 8 : i32
    "tpu.region"() ({
      %run_scoped3A = tpu.sem_alloc : memref<!tpu.dma_semaphore, #tpu.memory_space<semaphore_mem>>
      %dma_start3A_192 = tpu.memref_slice %arg3[%multiple_of3A_128] : memref<819200xi32, #tpu.memory_space<hbm>> -> memref<1600xi32, #tpu.memory_space<hbm>>
      %dma_start3A_193 = tpu.memref_slice %arg3[%multiple_of3A_128] : memref<819200xi32, #tpu.memory_space<hbm>> -> memref<1600xi32, #tpu.memory_space<hbm>>
      tpu.enqueue_dma source(%dma_start3A_193 : memref<1600xi32, #tpu.memory_space<hbm>>) target(%arg6 : memref<1600xi32, #tpu.memory_space<vmem>>) target_semaphore(%run_scoped3A : memref<!tpu.dma_semaphore, #tpu.memory_space<semaphore_mem>>)
      %dma_wait3A_194 = tpu.memref_slice %arg3[%multiple_of3A_128] : memref<819200xi32, #tpu.memory_space<hbm>> -> memref<1600xi32, #tpu.memory_space<hbm>>
      %dma_wait3A_195 = tpu.memref_slice %arg3[%multiple_of3A_128] : memref<819200xi32, #tpu.memory_space<hbm>> -> memref<1600xi32, #tpu.memory_space<hbm>>
      tpu.wait_dma2 semaphore(%run_scoped3A : memref<!tpu.dma_semaphore, #tpu.memory_space<semaphore_mem>>) src(%dma_wait3A_195 : memref<1600xi32, #tpu.memory_space<hbm>>) dst(%arg6 : memref<1600xi32, #tpu.memory_space<vmem>>)
      tpu.yield
    }) : () -> ()
    %dma_wait3A_129 = arith.constant 0 : i32
    %dma_wait3A_130 = arith.constant 0 : i32
    %dma_wait3A_131 = tpu.memref_slice %arg2[%dma_wait3A_129, %dma_wait3A_130] : memref<1048576x32xf32, #tpu.memory_space<hbm>> -> memref<1048576x32xf32, #tpu.memory_space<hbm>>
    tpu.wait_indirect_dma semaphore(%arg9 : memref<!tpu.dma_semaphore, #tpu.memory_space<semaphore_mem>>) src(%dma_wait3A_131 : memref<1048576x32xf32, #tpu.memory_space<hbm>>) dst(%arg7 : memref<1600x32xf32, #tpu.memory_space<vmem>>)
    %dma_start3A_132 = arith.constant 0 : i32
    %dma_start3A_133 = arith.constant 0 : i32
    %dma_start3A_134 = tpu.memref_slice %arg2[%dma_start3A_132, %dma_start3A_133] : memref<1048576x32xf32, #tpu.memory_space<hbm>> -> memref<1048576x32xf32, #tpu.memory_space<hbm>>
    tpu.enqueue_indirect_dma source(%dma_start3A_134 : memref<1048576x32xf32, #tpu.memory_space<hbm>>) target(%arg8 : memref<1600x32xf32, #tpu.memory_space<vmem>>) offsets(%arg6 : memref<1600xi32, #tpu.memory_space<vmem>>) semaphore(%arg10 : memref<!tpu.dma_semaphore, #tpu.memory_space<semaphore_mem>>)
    %add3A_135 = arith.constant 16000 : i32
    %add3A_136 = arith.addi %mul3A_2, %add3A_135 : i32
    %multiple_of3A_137 = tpu.assume_multiple %add3A_136, 8 : i32
    "tpu.region"() ({
      %run_scoped3A = tpu.sem_alloc : memref<!tpu.dma_semaphore, #tpu.memory_space<semaphore_mem>>
      %dma_start3A_192 = arith.constant 0 : i32
      %dma_start3A_193 = tpu.memref_slice %arg4[%multiple_of3A_137, %dma_start3A_192] : memref<819200x32xf32, #tpu.memory_space<hbm>> -> memref<1600x32xf32, #tpu.memory_space<hbm>>
      %dma_start3A_194 = arith.constant 0 : i32
      %dma_start3A_195 = tpu.memref_slice %arg4[%multiple_of3A_137, %dma_start3A_194] : memref<819200x32xf32, #tpu.memory_space<hbm>> -> memref<1600x32xf32, #tpu.memory_space<hbm>>
      tpu.enqueue_dma source(%arg7 : memref<1600x32xf32, #tpu.memory_space<vmem>>) target(%dma_start3A_195 : memref<1600x32xf32, #tpu.memory_space<hbm>>) target_semaphore(%run_scoped3A : memref<!tpu.dma_semaphore, #tpu.memory_space<semaphore_mem>>)
      %dma_wait3A_196 = arith.constant 0 : i32
      %dma_wait3A_197 = tpu.memref_slice %arg4[%multiple_of3A_137, %dma_wait3A_196] : memref<819200x32xf32, #tpu.memory_space<hbm>> -> memref<1600x32xf32, #tpu.memory_space<hbm>>
      %dma_wait3A_198 = arith.constant 0 : i32
      %dma_wait3A_199 = tpu.memref_slice %arg4[%multiple_of3A_137, %dma_wait3A_198] : memref<819200x32xf32, #tpu.memory_space<hbm>> -> memref<1600x32xf32, #tpu.memory_space<hbm>>
      tpu.wait_dma2 semaphore(%run_scoped3A : memref<!tpu.dma_semaphore, #tpu.memory_space<semaphore_mem>>) src(%arg7 : memref<1600x32xf32, #tpu.memory_space<vmem>>) dst(%dma_wait3A_199 : memref<1600x32xf32, #tpu.memory_space<hbm>>)
      tpu.yield
    }) : () -> ()
    %add3A_138 = arith.constant 19200 : i32
    %add3A_139 = arith.addi %mul3A_2, %add3A_138 : i32
    %multiple_of3A_140 = tpu.assume_multiple %add3A_139, 8 : i32
    "tpu.region"() ({
      %run_scoped3A = tpu.sem_alloc : memref<!tpu.dma_semaphore, #tpu.memory_space<semaphore_mem>>
      %dma_start3A_192 = tpu.memref_slice %arg3[%multiple_of3A_140] : memref<819200xi32, #tpu.memory_space<hbm>> -> memref<1600xi32, #tpu.memory_space<hbm>>
      %dma_start3A_193 = tpu.memref_slice %arg3[%multiple_of3A_140] : memref<819200xi32, #tpu.memory_space<hbm>> -> memref<1600xi32, #tpu.memory_space<hbm>>
      tpu.enqueue_dma source(%dma_start3A_193 : memref<1600xi32, #tpu.memory_space<hbm>>) target(%arg5 : memref<1600xi32, #tpu.memory_space<vmem>>) target_semaphore(%run_scoped3A : memref<!tpu.dma_semaphore, #tpu.memory_space<semaphore_mem>>)
      %dma_wait3A_194 = tpu.memref_slice %arg3[%multiple_of3A_140] : memref<819200xi32, #tpu.memory_space<hbm>> -> memref<1600xi32, #tpu.memory_space<hbm>>
      %dma_wait3A_195 = tpu.memref_slice %arg3[%multiple_of3A_140] : memref<819200xi32, #tpu.memory_space<hbm>> -> memref<1600xi32, #tpu.memory_space<hbm>>
      tpu.wait_dma2 semaphore(%run_scoped3A : memref<!tpu.dma_semaphore, #tpu.memory_space<semaphore_mem>>) src(%dma_wait3A_195 : memref<1600xi32, #tpu.memory_space<hbm>>) dst(%arg5 : memref<1600xi32, #tpu.memory_space<vmem>>)
      tpu.yield
    }) : () -> ()
    %dma_wait3A_141 = arith.constant 0 : i32
    %dma_wait3A_142 = arith.constant 0 : i32
    %dma_wait3A_143 = tpu.memref_slice %arg2[%dma_wait3A_141, %dma_wait3A_142] : memref<1048576x32xf32, #tpu.memory_space<hbm>> -> memref<1048576x32xf32, #tpu.memory_space<hbm>>
    tpu.wait_indirect_dma semaphore(%arg10 : memref<!tpu.dma_semaphore, #tpu.memory_space<semaphore_mem>>) src(%dma_wait3A_143 : memref<1048576x32xf32, #tpu.memory_space<hbm>>) dst(%arg8 : memref<1600x32xf32, #tpu.memory_space<vmem>>)
    %dma_start3A_144 = arith.constant 0 : i32
    %dma_start3A_145 = arith.constant 0 : i32
    %dma_start3A_146 = tpu.memref_slice %arg2[%dma_start3A_144, %dma_start3A_145] : memref<1048576x32xf32, #tpu.memory_space<hbm>> -> memref<1048576x32xf32, #tpu.memory_space<hbm>>
    tpu.enqueue_indirect_dma source(%dma_start3A_146 : memref<1048576x32xf32, #tpu.memory_space<hbm>>) target(%arg7 : memref<1600x32xf32, #tpu.memory_space<vmem>>) offsets(%arg5 : memref<1600xi32, #tpu.memory_space<vmem>>) semaphore(%arg9 : memref<!tpu.dma_semaphore, #tpu.memory_space<semaphore_mem>>)
    %add3A_147 = arith.constant 17600 : i32
    %add3A_148 = arith.addi %mul3A_2, %add3A_147 : i32
    %multiple_of3A_149 = tpu.assume_multiple %add3A_148, 8 : i32
    "tpu.region"() ({
      %run_scoped3A = tpu.sem_alloc : memref<!tpu.dma_semaphore, #tpu.memory_space<semaphore_mem>>
      %dma_start3A_192 = arith.constant 0 : i32
      %dma_start3A_193 = tpu.memref_slice %arg4[%multiple_of3A_149, %dma_start3A_192] : memref<819200x32xf32, #tpu.memory_space<hbm>> -> memref<1600x32xf32, #tpu.memory_space<hbm>>
      %dma_start3A_194 = arith.constant 0 : i32
      %dma_start3A_195 = tpu.memref_slice %arg4[%multiple_of3A_149, %dma_start3A_194] : memref<819200x32xf32, #tpu.memory_space<hbm>> -> memref<1600x32xf32, #tpu.memory_space<hbm>>
      tpu.enqueue_dma source(%arg8 : memref<1600x32xf32, #tpu.memory_space<vmem>>) target(%dma_start3A_195 : memref<1600x32xf32, #tpu.memory_space<hbm>>) target_semaphore(%run_scoped3A : memref<!tpu.dma_semaphore, #tpu.memory_space<semaphore_mem>>)
      %dma_wait3A_196 = arith.constant 0 : i32
      %dma_wait3A_197 = tpu.memref_slice %arg4[%multiple_of3A_149, %dma_wait3A_196] : memref<819200x32xf32, #tpu.memory_space<hbm>> -> memref<1600x32xf32, #tpu.memory_space<hbm>>
      %dma_wait3A_198 = arith.constant 0 : i32
      %dma_wait3A_199 = tpu.memref_slice %arg4[%multiple_of3A_149, %dma_wait3A_198] : memref<819200x32xf32, #tpu.memory_space<hbm>> -> memref<1600x32xf32, #tpu.memory_space<hbm>>
      tpu.wait_dma2 semaphore(%run_scoped3A : memref<!tpu.dma_semaphore, #tpu.memory_space<semaphore_mem>>) src(%arg8 : memref<1600x32xf32, #tpu.memory_space<vmem>>) dst(%dma_wait3A_199 : memref<1600x32xf32, #tpu.memory_space<hbm>>)
      tpu.yield
    }) : () -> ()
    %add3A_150 = arith.constant 20800 : i32
    %add3A_151 = arith.addi %mul3A_2, %add3A_150 : i32
    %multiple_of3A_152 = tpu.assume_multiple %add3A_151, 8 : i32
    "tpu.region"() ({
      %run_scoped3A = tpu.sem_alloc : memref<!tpu.dma_semaphore, #tpu.memory_space<semaphore_mem>>
      %dma_start3A_192 = tpu.memref_slice %arg3[%multiple_of3A_152] : memref<819200xi32, #tpu.memory_space<hbm>> -> memref<1600xi32, #tpu.memory_space<hbm>>
      %dma_start3A_193 = tpu.memref_slice %arg3[%multiple_of3A_152] : memref<819200xi32, #tpu.memory_space<hbm>> -> memref<1600xi32, #tpu.memory_space<hbm>>
      tpu.enqueue_dma source(%dma_start3A_193 : memref<1600xi32, #tpu.memory_space<hbm>>) target(%arg6 : memref<1600xi32, #tpu.memory_space<vmem>>) target_semaphore(%run_scoped3A : memref<!tpu.dma_semaphore, #tpu.memory_space<semaphore_mem>>)
      %dma_wait3A_194 = tpu.memref_slice %arg3[%multiple_of3A_152] : memref<819200xi32, #tpu.memory_space<hbm>> -> memref<1600xi32, #tpu.memory_space<hbm>>
      %dma_wait3A_195 = tpu.memref_slice %arg3[%multiple_of3A_152] : memref<819200xi32, #tpu.memory_space<hbm>> -> memref<1600xi32, #tpu.memory_space<hbm>>
      tpu.wait_dma2 semaphore(%run_scoped3A : memref<!tpu.dma_semaphore, #tpu.memory_space<semaphore_mem>>) src(%dma_wait3A_195 : memref<1600xi32, #tpu.memory_space<hbm>>) dst(%arg6 : memref<1600xi32, #tpu.memory_space<vmem>>)
      tpu.yield
    }) : () -> ()
    %dma_wait3A_153 = arith.constant 0 : i32
    %dma_wait3A_154 = arith.constant 0 : i32
    %dma_wait3A_155 = tpu.memref_slice %arg2[%dma_wait3A_153, %dma_wait3A_154] : memref<1048576x32xf32, #tpu.memory_space<hbm>> -> memref<1048576x32xf32, #tpu.memory_space<hbm>>
    tpu.wait_indirect_dma semaphore(%arg9 : memref<!tpu.dma_semaphore, #tpu.memory_space<semaphore_mem>>) src(%dma_wait3A_155 : memref<1048576x32xf32, #tpu.memory_space<hbm>>) dst(%arg7 : memref<1600x32xf32, #tpu.memory_space<vmem>>)
    %dma_start3A_156 = arith.constant 0 : i32
    %dma_start3A_157 = arith.constant 0 : i32
    %dma_start3A_158 = tpu.memref_slice %arg2[%dma_start3A_156, %dma_start3A_157] : memref<1048576x32xf32, #tpu.memory_space<hbm>> -> memref<1048576x32xf32, #tpu.memory_space<hbm>>
    tpu.enqueue_indirect_dma source(%dma_start3A_158 : memref<1048576x32xf32, #tpu.memory_space<hbm>>) target(%arg8 : memref<1600x32xf32, #tpu.memory_space<vmem>>) offsets(%arg6 : memref<1600xi32, #tpu.memory_space<vmem>>) semaphore(%arg10 : memref<!tpu.dma_semaphore, #tpu.memory_space<semaphore_mem>>)
    %add3A_159 = arith.constant 19200 : i32
    %add3A_160 = arith.addi %mul3A_2, %add3A_159 : i32
    %multiple_of3A_161 = tpu.assume_multiple %add3A_160, 8 : i32
    "tpu.region"() ({
      %run_scoped3A = tpu.sem_alloc : memref<!tpu.dma_semaphore, #tpu.memory_space<semaphore_mem>>
      %dma_start3A_192 = arith.constant 0 : i32
      %dma_start3A_193 = tpu.memref_slice %arg4[%multiple_of3A_161, %dma_start3A_192] : memref<819200x32xf32, #tpu.memory_space<hbm>> -> memref<1600x32xf32, #tpu.memory_space<hbm>>
      %dma_start3A_194 = arith.constant 0 : i32
      %dma_start3A_195 = tpu.memref_slice %arg4[%multiple_of3A_161, %dma_start3A_194] : memref<819200x32xf32, #tpu.memory_space<hbm>> -> memref<1600x32xf32, #tpu.memory_space<hbm>>
      tpu.enqueue_dma source(%arg7 : memref<1600x32xf32, #tpu.memory_space<vmem>>) target(%dma_start3A_195 : memref<1600x32xf32, #tpu.memory_space<hbm>>) target_semaphore(%run_scoped3A : memref<!tpu.dma_semaphore, #tpu.memory_space<semaphore_mem>>)
      %dma_wait3A_196 = arith.constant 0 : i32
      %dma_wait3A_197 = tpu.memref_slice %arg4[%multiple_of3A_161, %dma_wait3A_196] : memref<819200x32xf32, #tpu.memory_space<hbm>> -> memref<1600x32xf32, #tpu.memory_space<hbm>>
      %dma_wait3A_198 = arith.constant 0 : i32
      %dma_wait3A_199 = tpu.memref_slice %arg4[%multiple_of3A_161, %dma_wait3A_198] : memref<819200x32xf32, #tpu.memory_space<hbm>> -> memref<1600x32xf32, #tpu.memory_space<hbm>>
      tpu.wait_dma2 semaphore(%run_scoped3A : memref<!tpu.dma_semaphore, #tpu.memory_space<semaphore_mem>>) src(%arg7 : memref<1600x32xf32, #tpu.memory_space<vmem>>) dst(%dma_wait3A_199 : memref<1600x32xf32, #tpu.memory_space<hbm>>)
      tpu.yield
    }) : () -> ()
    %add3A_162 = arith.constant 22400 : i32
    %add3A_163 = arith.addi %mul3A_2, %add3A_162 : i32
    %multiple_of3A_164 = tpu.assume_multiple %add3A_163, 8 : i32
    "tpu.region"() ({
      %run_scoped3A = tpu.sem_alloc : memref<!tpu.dma_semaphore, #tpu.memory_space<semaphore_mem>>
      %dma_start3A_192 = tpu.memref_slice %arg3[%multiple_of3A_164] : memref<819200xi32, #tpu.memory_space<hbm>> -> memref<1600xi32, #tpu.memory_space<hbm>>
      %dma_start3A_193 = tpu.memref_slice %arg3[%multiple_of3A_164] : memref<819200xi32, #tpu.memory_space<hbm>> -> memref<1600xi32, #tpu.memory_space<hbm>>
      tpu.enqueue_dma source(%dma_start3A_193 : memref<1600xi32, #tpu.memory_space<hbm>>) target(%arg5 : memref<1600xi32, #tpu.memory_space<vmem>>) target_semaphore(%run_scoped3A : memref<!tpu.dma_semaphore, #tpu.memory_space<semaphore_mem>>)
      %dma_wait3A_194 = tpu.memref_slice %arg3[%multiple_of3A_164] : memref<819200xi32, #tpu.memory_space<hbm>> -> memref<1600xi32, #tpu.memory_space<hbm>>
      %dma_wait3A_195 = tpu.memref_slice %arg3[%multiple_of3A_164] : memref<819200xi32, #tpu.memory_space<hbm>> -> memref<1600xi32, #tpu.memory_space<hbm>>
      tpu.wait_dma2 semaphore(%run_scoped3A : memref<!tpu.dma_semaphore, #tpu.memory_space<semaphore_mem>>) src(%dma_wait3A_195 : memref<1600xi32, #tpu.memory_space<hbm>>) dst(%arg5 : memref<1600xi32, #tpu.memory_space<vmem>>)
      tpu.yield
    }) : () -> ()
    %dma_wait3A_165 = arith.constant 0 : i32
    %dma_wait3A_166 = arith.constant 0 : i32
    %dma_wait3A_167 = tpu.memref_slice %arg2[%dma_wait3A_165, %dma_wait3A_166] : memref<1048576x32xf32, #tpu.memory_space<hbm>> -> memref<1048576x32xf32, #tpu.memory_space<hbm>>
    tpu.wait_indirect_dma semaphore(%arg10 : memref<!tpu.dma_semaphore, #tpu.memory_space<semaphore_mem>>) src(%dma_wait3A_167 : memref<1048576x32xf32, #tpu.memory_space<hbm>>) dst(%arg8 : memref<1600x32xf32, #tpu.memory_space<vmem>>)
    %dma_start3A_168 = arith.constant 0 : i32
    %dma_start3A_169 = arith.constant 0 : i32
    %dma_start3A_170 = tpu.memref_slice %arg2[%dma_start3A_168, %dma_start3A_169] : memref<1048576x32xf32, #tpu.memory_space<hbm>> -> memref<1048576x32xf32, #tpu.memory_space<hbm>>
    tpu.enqueue_indirect_dma source(%dma_start3A_170 : memref<1048576x32xf32, #tpu.memory_space<hbm>>) target(%arg7 : memref<1600x32xf32, #tpu.memory_space<vmem>>) offsets(%arg5 : memref<1600xi32, #tpu.memory_space<vmem>>) semaphore(%arg9 : memref<!tpu.dma_semaphore, #tpu.memory_space<semaphore_mem>>)
    %add3A_171 = arith.constant 20800 : i32
    %add3A_172 = arith.addi %mul3A_2, %add3A_171 : i32
    %multiple_of3A_173 = tpu.assume_multiple %add3A_172, 8 : i32
    "tpu.region"() ({
      %run_scoped3A = tpu.sem_alloc : memref<!tpu.dma_semaphore, #tpu.memory_space<semaphore_mem>>
      %dma_start3A_192 = arith.constant 0 : i32
      %dma_start3A_193 = tpu.memref_slice %arg4[%multiple_of3A_173, %dma_start3A_192] : memref<819200x32xf32, #tpu.memory_space<hbm>> -> memref<1600x32xf32, #tpu.memory_space<hbm>>
      %dma_start3A_194 = arith.constant 0 : i32
      %dma_start3A_195 = tpu.memref_slice %arg4[%multiple_of3A_173, %dma_start3A_194] : memref<819200x32xf32, #tpu.memory_space<hbm>> -> memref<1600x32xf32, #tpu.memory_space<hbm>>
      tpu.enqueue_dma source(%arg8 : memref<1600x32xf32, #tpu.memory_space<vmem>>) target(%dma_start3A_195 : memref<1600x32xf32, #tpu.memory_space<hbm>>) target_semaphore(%run_scoped3A : memref<!tpu.dma_semaphore, #tpu.memory_space<semaphore_mem>>)
      %dma_wait3A_196 = arith.constant 0 : i32
      %dma_wait3A_197 = tpu.memref_slice %arg4[%multiple_of3A_173, %dma_wait3A_196] : memref<819200x32xf32, #tpu.memory_space<hbm>> -> memref<1600x32xf32, #tpu.memory_space<hbm>>
      %dma_wait3A_198 = arith.constant 0 : i32
      %dma_wait3A_199 = tpu.memref_slice %arg4[%multiple_of3A_173, %dma_wait3A_198] : memref<819200x32xf32, #tpu.memory_space<hbm>> -> memref<1600x32xf32, #tpu.memory_space<hbm>>
      tpu.wait_dma2 semaphore(%run_scoped3A : memref<!tpu.dma_semaphore, #tpu.memory_space<semaphore_mem>>) src(%arg8 : memref<1600x32xf32, #tpu.memory_space<vmem>>) dst(%dma_wait3A_199 : memref<1600x32xf32, #tpu.memory_space<hbm>>)
      tpu.yield
    }) : () -> ()
    %add3A_174 = arith.constant 24000 : i32
    %add3A_175 = arith.addi %mul3A_2, %add3A_174 : i32
    %multiple_of3A_176 = tpu.assume_multiple %add3A_175, 8 : i32
    "tpu.region"() ({
      %run_scoped3A = tpu.sem_alloc : memref<!tpu.dma_semaphore, #tpu.memory_space<semaphore_mem>>
      %dma_start3A_192 = tpu.memref_slice %arg3[%multiple_of3A_176] : memref<819200xi32, #tpu.memory_space<hbm>> -> memref<1600xi32, #tpu.memory_space<hbm>>
      %dma_start3A_193 = tpu.memref_slice %arg3[%multiple_of3A_176] : memref<819200xi32, #tpu.memory_space<hbm>> -> memref<1600xi32, #tpu.memory_space<hbm>>
      tpu.enqueue_dma source(%dma_start3A_193 : memref<1600xi32, #tpu.memory_space<hbm>>) target(%arg6 : memref<1600xi32, #tpu.memory_space<vmem>>) target_semaphore(%run_scoped3A : memref<!tpu.dma_semaphore, #tpu.memory_space<semaphore_mem>>)
      %dma_wait3A_194 = tpu.memref_slice %arg3[%multiple_of3A_176] : memref<819200xi32, #tpu.memory_space<hbm>> -> memref<1600xi32, #tpu.memory_space<hbm>>
      %dma_wait3A_195 = tpu.memref_slice %arg3[%multiple_of3A_176] : memref<819200xi32, #tpu.memory_space<hbm>> -> memref<1600xi32, #tpu.memory_space<hbm>>
      tpu.wait_dma2 semaphore(%run_scoped3A : memref<!tpu.dma_semaphore, #tpu.memory_space<semaphore_mem>>) src(%dma_wait3A_195 : memref<1600xi32, #tpu.memory_space<hbm>>) dst(%arg6 : memref<1600xi32, #tpu.memory_space<vmem>>)
      tpu.yield
    }) : () -> ()
    %dma_wait3A_177 = arith.constant 0 : i32
    %dma_wait3A_178 = arith.constant 0 : i32
    %dma_wait3A_179 = tpu.memref_slice %arg2[%dma_wait3A_177, %dma_wait3A_178] : memref<1048576x32xf32, #tpu.memory_space<hbm>> -> memref<1048576x32xf32, #tpu.memory_space<hbm>>
    tpu.wait_indirect_dma semaphore(%arg9 : memref<!tpu.dma_semaphore, #tpu.memory_space<semaphore_mem>>) src(%dma_wait3A_179 : memref<1048576x32xf32, #tpu.memory_space<hbm>>) dst(%arg7 : memref<1600x32xf32, #tpu.memory_space<vmem>>)
    %dma_start3A_180 = arith.constant 0 : i32
    %dma_start3A_181 = arith.constant 0 : i32
    %dma_start3A_182 = tpu.memref_slice %arg2[%dma_start3A_180, %dma_start3A_181] : memref<1048576x32xf32, #tpu.memory_space<hbm>> -> memref<1048576x32xf32, #tpu.memory_space<hbm>>
    tpu.enqueue_indirect_dma source(%dma_start3A_182 : memref<1048576x32xf32, #tpu.memory_space<hbm>>) target(%arg8 : memref<1600x32xf32, #tpu.memory_space<vmem>>) offsets(%arg6 : memref<1600xi32, #tpu.memory_space<vmem>>) semaphore(%arg10 : memref<!tpu.dma_semaphore, #tpu.memory_space<semaphore_mem>>)
    %add3A_183 = arith.constant 22400 : i32
    %add3A_184 = arith.addi %mul3A_2, %add3A_183 : i32
    %multiple_of3A_185 = tpu.assume_multiple %add3A_184, 8 : i32
    "tpu.region"() ({
      %run_scoped3A = tpu.sem_alloc : memref<!tpu.dma_semaphore, #tpu.memory_space<semaphore_mem>>
      %dma_start3A_192 = arith.constant 0 : i32
      %dma_start3A_193 = tpu.memref_slice %arg4[%multiple_of3A_185, %dma_start3A_192] : memref<819200x32xf32, #tpu.memory_space<hbm>> -> memref<1600x32xf32, #tpu.memory_space<hbm>>
      %dma_start3A_194 = arith.constant 0 : i32
      %dma_start3A_195 = tpu.memref_slice %arg4[%multiple_of3A_185, %dma_start3A_194] : memref<819200x32xf32, #tpu.memory_space<hbm>> -> memref<1600x32xf32, #tpu.memory_space<hbm>>
      tpu.enqueue_dma source(%arg7 : memref<1600x32xf32, #tpu.memory_space<vmem>>) target(%dma_start3A_195 : memref<1600x32xf32, #tpu.memory_space<hbm>>) target_semaphore(%run_scoped3A : memref<!tpu.dma_semaphore, #tpu.memory_space<semaphore_mem>>)
      %dma_wait3A_196 = arith.constant 0 : i32
      %dma_wait3A_197 = tpu.memref_slice %arg4[%multiple_of3A_185, %dma_wait3A_196] : memref<819200x32xf32, #tpu.memory_space<hbm>> -> memref<1600x32xf32, #tpu.memory_space<hbm>>
      %dma_wait3A_198 = arith.constant 0 : i32
      %dma_wait3A_199 = tpu.memref_slice %arg4[%multiple_of3A_185, %dma_wait3A_198] : memref<819200x32xf32, #tpu.memory_space<hbm>> -> memref<1600x32xf32, #tpu.memory_space<hbm>>
      tpu.wait_dma2 semaphore(%run_scoped3A : memref<!tpu.dma_semaphore, #tpu.memory_space<semaphore_mem>>) src(%arg7 : memref<1600x32xf32, #tpu.memory_space<vmem>>) dst(%dma_wait3A_199 : memref<1600x32xf32, #tpu.memory_space<hbm>>)
      tpu.yield
    }) : () -> ()
    %dma_wait3A_186 = arith.constant 0 : i32
    %dma_wait3A_187 = arith.constant 0 : i32
    %dma_wait3A_188 = tpu.memref_slice %arg2[%dma_wait3A_186, %dma_wait3A_187] : memref<1048576x32xf32, #tpu.memory_space<hbm>> -> memref<1048576x32xf32, #tpu.memory_space<hbm>>
    tpu.wait_indirect_dma semaphore(%arg10 : memref<!tpu.dma_semaphore, #tpu.memory_space<semaphore_mem>>) src(%dma_wait3A_188 : memref<1048576x32xf32, #tpu.memory_space<hbm>>) dst(%arg8 : memref<1600x32xf32, #tpu.memory_space<vmem>>)
    %add3A_189 = arith.constant 24000 : i32
    %add3A_190 = arith.addi %mul3A_2, %add3A_189 : i32
    %multiple_of3A_191 = tpu.assume_multiple %add3A_190, 8 : i32
    "tpu.region"() ({
      %run_scoped3A = tpu.sem_alloc : memref<!tpu.dma_semaphore, #tpu.memory_space<semaphore_mem>>
      %dma_start3A_192 = arith.constant 0 : i32
      %dma_start3A_193 = tpu.memref_slice %arg4[%multiple_of3A_191, %dma_start3A_192] : memref<819200x32xf32, #tpu.memory_space<hbm>> -> memref<1600x32xf32, #tpu.memory_space<hbm>>
      %dma_start3A_194 = arith.constant 0 : i32
      %dma_start3A_195 = tpu.memref_slice %arg4[%multiple_of3A_191, %dma_start3A_194] : memref<819200x32xf32, #tpu.memory_space<hbm>> -> memref<1600x32xf32, #tpu.memory_space<hbm>>
      tpu.enqueue_dma source(%arg8 : memref<1600x32xf32, #tpu.memory_space<vmem>>) target(%dma_start3A_195 : memref<1600x32xf32, #tpu.memory_space<hbm>>) target_semaphore(%run_scoped3A : memref<!tpu.dma_semaphore, #tpu.memory_space<semaphore_mem>>)
      %dma_wait3A_196 = arith.constant 0 : i32
      %dma_wait3A_197 = tpu.memref_slice %arg4[%multiple_of3A_191, %dma_wait3A_196] : memref<819200x32xf32, #tpu.memory_space<hbm>> -> memref<1600x32xf32, #tpu.memory_space<hbm>>
      %dma_wait3A_198 = arith.constant 0 : i32
      %dma_wait3A_199 = tpu.memref_slice %arg4[%multiple_of3A_191, %dma_wait3A_198] : memref<819200x32xf32, #tpu.memory_space<hbm>> -> memref<1600x32xf32, #tpu.memory_space<hbm>>
      tpu.wait_dma2 semaphore(%run_scoped3A : memref<!tpu.dma_semaphore, #tpu.memory_space<semaphore_mem>>) src(%arg8 : memref<1600x32xf32, #tpu.memory_space<vmem>>) dst(%dma_wait3A_199 : memref<1600x32xf32, #tpu.memory_space<hbm>>)
      tpu.yield
    }) : () -> ()
    return
  }
}

module attributes {stable_mosaic.version = 14 : i64} {
  func.func @_proj_body(%arg0: i32, %arg1: memref<64x8192xf32, #tpu.memory_space<vmem>>, %arg2: memref<64x8192xf32, #tpu.memory_space<vmem>>, %arg3: memref<64x8192xf32, #tpu.memory_space<vmem>>, %arg4: memref<64x8192xf32, #tpu.memory_space<vmem>>, %arg5: memref<64x32xf32, #tpu.memory_space<vmem>>, %arg6: memref<1x32xf32, #tpu.memory_space<vmem>>, %arg7: memref<8192x128xf32, #tpu.memory_space<vmem>>) attributes {dimension_semantics = [#tpu.dimension_semantics<arbitrary>], iteration_bounds = array<i64: 32>, scalar_prefetch = 0 : i64, scratch_operands = 0 : i64, tpu.core_type = #tpu.core_type<tc>, window_params = [{transform_indices = @transform_0, window_bounds = array<i64: 64, 8192>}, {transform_indices = @transform_1, window_bounds = array<i64: 64, 8192>}, {transform_indices = @transform_2, window_bounds = array<i64: 64, 8192>}, {transform_indices = @transform_3, window_bounds = array<i64: 64, 8192>}, {pipeline_mode = #tpu.pipeline_mode<synchronous>, transform_indices = @transform_4, window_bounds = array<i64: 64, 32>}, {pipeline_mode = #tpu.pipeline_mode<synchronous>, transform_indices = @transform_5, window_bounds = array<i64: 1, 32>}, {transform_indices = @transform_6, window_bounds = array<i64: 8192, 128>}]} {
    %get3A = arith.constant 0 : index
    %get3A_0 = arith.constant 0 : index
    %get3A_1 = vector.load %arg1[%get3A, %get3A_0] : memref<64x8192xf32, #tpu.memory_space<vmem>>, vector<64x8192xf32>
    %get3A_2 = arith.constant 0 : index
    %get3A_3 = arith.constant 0 : index
    %get3A_4 = vector.load %arg5[%get3A_2, %get3A_3] : memref<64x32xf32, #tpu.memory_space<vmem>>, vector<64x32xf32>
    %dot_general3A = arith.constant dense<0.000000e+00> : vector<8192x32xf32>
    %dot_general3A_5 = tpu.matmul %get3A_1, %get3A_4, %dot_general3A {dimension_numbers = #tpu.dot_dimension_numbers<[0], [0], [1], [1], [0, 1, 1, 1], [], []>, transpose_lhs_hint = false} : vector<64x8192xf32>, vector<64x32xf32>, vector<8192x32xf32> -> vector<8192x32xf32>
    %get3A_6 = arith.constant 0 : index
    %get3A_7 = arith.constant 0 : index
    %get3A_8 = vector.load %arg6[%get3A_6, %get3A_7] : memref<1x32xf32, #tpu.memory_space<vmem>>, vector<1x32xf32>
    %add3A = vector.broadcast %get3A_8 : vector<1x32xf32> to vector<8192x32xf32>
    %add3A_9 = arith.addf %dot_general3A_5, %add3A : vector<8192x32xf32>
    %swap3A = arith.constant 0 : index
    %swap3A_10 = arith.constant 0 : index
    %swap3A_11 = vector.load %arg7[%swap3A, %swap3A_10] : memref<8192x128xf32, #tpu.memory_space<vmem>>, vector<8192x32xf32>
    tpu.vector_store %arg7[%swap3A, %swap3A_10], %add3A_9 {strides = array<i32>} : memref<8192x128xf32, #tpu.memory_space<vmem>>, vector<8192x32xf32>,
    %get3A_12 = arith.constant 0 : index
    %get3A_13 = arith.constant 0 : index
    %get3A_14 = vector.load %arg2[%get3A_12, %get3A_13] : memref<64x8192xf32, #tpu.memory_space<vmem>>, vector<64x8192xf32>
    %get3A_15 = arith.constant 0 : index
    %get3A_16 = arith.constant 0 : index
    %get3A_17 = vector.load %arg5[%get3A_15, %get3A_16] : memref<64x32xf32, #tpu.memory_space<vmem>>, vector<64x32xf32>
    %dot_general3A_18 = arith.constant dense<0.000000e+00> : vector<8192x32xf32>
    %dot_general3A_19 = tpu.matmul %get3A_14, %get3A_17, %dot_general3A_18 {dimension_numbers = #tpu.dot_dimension_numbers<[0], [0], [1], [1], [0, 1, 1, 1], [], []>, transpose_lhs_hint = false} : vector<64x8192xf32>, vector<64x32xf32>, vector<8192x32xf32> -> vector<8192x32xf32>
    %get3A_20 = arith.constant 0 : index
    %get3A_21 = arith.constant 0 : index
    %get3A_22 = vector.load %arg6[%get3A_20, %get3A_21] : memref<1x32xf32, #tpu.memory_space<vmem>>, vector<1x32xf32>
    %add3A_23 = vector.broadcast %get3A_22 : vector<1x32xf32> to vector<8192x32xf32>
    %add3A_24 = arith.addf %dot_general3A_19, %add3A_23 : vector<8192x32xf32>
    %swap3A_25 = arith.constant 0 : index
    %swap3A_26 = arith.constant 32 : index
    %swap3A_27 = vector.load %arg7[%swap3A_25, %swap3A_26] : memref<8192x128xf32, #tpu.memory_space<vmem>>, vector<8192x32xf32>
    tpu.vector_store %arg7[%swap3A_25, %swap3A_26], %add3A_24 {strides = array<i32>} : memref<8192x128xf32, #tpu.memory_space<vmem>>, vector<8192x32xf32>,
    %get3A_28 = arith.constant 0 : index
    %get3A_29 = arith.constant 0 : index
    %get3A_30 = vector.load %arg3[%get3A_28, %get3A_29] : memref<64x8192xf32, #tpu.memory_space<vmem>>, vector<64x8192xf32>
    %get3A_31 = arith.constant 0 : index
    %get3A_32 = arith.constant 0 : index
    %get3A_33 = vector.load %arg5[%get3A_31, %get3A_32] : memref<64x32xf32, #tpu.memory_space<vmem>>, vector<64x32xf32>
    %dot_general3A_34 = arith.constant dense<0.000000e+00> : vector<8192x32xf32>
    %dot_general3A_35 = tpu.matmul %get3A_30, %get3A_33, %dot_general3A_34 {dimension_numbers = #tpu.dot_dimension_numbers<[0], [0], [1], [1], [0, 1, 1, 1], [], []>, transpose_lhs_hint = false} : vector<64x8192xf32>, vector<64x32xf32>, vector<8192x32xf32> -> vector<8192x32xf32>
    %get3A_36 = arith.constant 0 : index
    %get3A_37 = arith.constant 0 : index
    %get3A_38 = vector.load %arg6[%get3A_36, %get3A_37] : memref<1x32xf32, #tpu.memory_space<vmem>>, vector<1x32xf32>
    %add3A_39 = vector.broadcast %get3A_38 : vector<1x32xf32> to vector<8192x32xf32>
    %add3A_40 = arith.addf %dot_general3A_35, %add3A_39 : vector<8192x32xf32>
    %swap3A_41 = arith.constant 0 : index
    %swap3A_42 = arith.constant 64 : index
    %swap3A_43 = vector.load %arg7[%swap3A_41, %swap3A_42] : memref<8192x128xf32, #tpu.memory_space<vmem>>, vector<8192x32xf32>
    tpu.vector_store %arg7[%swap3A_41, %swap3A_42], %add3A_40 {strides = array<i32>} : memref<8192x128xf32, #tpu.memory_space<vmem>>, vector<8192x32xf32>,
    %get3A_44 = arith.constant 0 : index
    %get3A_45 = arith.constant 0 : index
    %get3A_46 = vector.load %arg4[%get3A_44, %get3A_45] : memref<64x8192xf32, #tpu.memory_space<vmem>>, vector<64x8192xf32>
    %get3A_47 = arith.constant 0 : index
    %get3A_48 = arith.constant 0 : index
    %get3A_49 = vector.load %arg5[%get3A_47, %get3A_48] : memref<64x32xf32, #tpu.memory_space<vmem>>, vector<64x32xf32>
    %dot_general3A_50 = arith.constant dense<0.000000e+00> : vector<8192x32xf32>
    %dot_general3A_51 = tpu.matmul %get3A_46, %get3A_49, %dot_general3A_50 {dimension_numbers = #tpu.dot_dimension_numbers<[0], [0], [1], [1], [0, 1, 1, 1], [], []>, transpose_lhs_hint = false} : vector<64x8192xf32>, vector<64x32xf32>, vector<8192x32xf32> -> vector<8192x32xf32>
    %get3A_52 = arith.constant 0 : index
    %get3A_53 = arith.constant 0 : index
    %get3A_54 = vector.load %arg6[%get3A_52, %get3A_53] : memref<1x32xf32, #tpu.memory_space<vmem>>, vector<1x32xf32>
    %add3A_55 = vector.broadcast %get3A_54 : vector<1x32xf32> to vector<8192x32xf32>
    %add3A_56 = arith.addf %dot_general3A_51, %add3A_55 : vector<8192x32xf32>
    %swap3A_57 = arith.constant 0 : index
    %swap3A_58 = arith.constant 96 : index
    %swap3A_59 = vector.load %arg7[%swap3A_57, %swap3A_58] : memref<8192x128xf32, #tpu.memory_space<vmem>>, vector<8192x32xf32>
    tpu.vector_store %arg7[%swap3A_57, %swap3A_58], %add3A_56 {strides = array<i32>} : memref<8192x128xf32, #tpu.memory_space<vmem>>, vector<8192x32xf32>,
    return
  }
  func.func @transform_0(%arg0: i32) -> (i32, i32) {
    %add3A = arith.constant 0 : i32
    %add3A_0 = arith.addi %add3A, %arg0 : i32
    %min3A = arith.constant 122 : i32
    %min3A_1 = arith.minsi %add3A_0, %min3A : i32
    %c0_i32 = arith.constant 0 : i32
    %c0_i32_2 = arith.constant 0 : i32
    return %c0_i32, %min3A_1 : i32, i32
  }
  func.func @transform_1(%arg0: i32) -> (i32, i32) {
    %add3A = arith.constant 32 : i32
    %add3A_0 = arith.addi %add3A, %arg0 : i32
    %min3A = arith.constant 122 : i32
    %min3A_1 = arith.minsi %add3A_0, %min3A : i32
    %c0_i32 = arith.constant 0 : i32
    %c0_i32_2 = arith.constant 0 : i32
    return %c0_i32, %min3A_1 : i32, i32
  }
  func.func @transform_2(%arg0: i32) -> (i32, i32) {
    %add3A = arith.constant 64 : i32
    %add3A_0 = arith.addi %add3A, %arg0 : i32
    %min3A = arith.constant 122 : i32
    %min3A_1 = arith.minsi %add3A_0, %min3A : i32
    %c0_i32 = arith.constant 0 : i32
    %c0_i32_2 = arith.constant 0 : i32
    return %c0_i32, %min3A_1 : i32, i32
  }
  func.func @transform_3(%arg0: i32) -> (i32, i32) {
    %add3A = arith.constant 96 : i32
    %add3A_0 = arith.addi %add3A, %arg0 : i32
    %min3A = arith.constant 122 : i32
    %min3A_1 = arith.minsi %add3A_0, %min3A : i32
    %c0_i32 = arith.constant 0 : i32
    %c0_i32_2 = arith.constant 0 : i32
    return %c0_i32, %min3A_1 : i32, i32
  }
  func.func @transform_4(%arg0: i32) -> (i32, i32) {
    %c0_i32 = arith.constant 0 : i32
    %c0_i32_0 = arith.constant 0 : i32
    %c0_i32_1 = arith.constant 0 : i32
    return %c0_i32, %c0_i32_0 : i32, i32
  }
  func.func @transform_5(%arg0: i32) -> (i32, i32) {
    %c0_i32 = arith.constant 0 : i32
    %c0_i32_0 = arith.constant 0 : i32
    %c0_i32_1 = arith.constant 0 : i32
    return %c0_i32, %c0_i32_0 : i32, i32
  }
  func.func @transform_6(%arg0: i32) -> (i32, i32) {
    %c0_i32 = arith.constant 0 : i32
    %c0_i32_0 = arith.constant 0 : i32
    return %arg0, %c0_i32 : i32, i32
  }
}

</mosaic_0001>

<sc_bundles>
// kernel: kernel.4.cloned.1.call-start
scs
__scs_entry_jumppad:
0x0: {  	(pc) =	sbr.rel $0x88, $3  }
0x1: {  	(tag) =	ssettag $0x0;
	lr =	simm.s32 $0x1  }
0x2: {  	[smem:$0x3F9D] =	sst lr;
	_ =	strace $0xD0000000  }
0x3: {  	_ = 	snop  }
0x4: {  	_ = 	snop  }
0x5: {  	_ = 	snop  }
0x6: {  	_ = 	snop  }
0x7: {  	_ = 	snop  }
__scs_overlays_trampoline_lowered:
0x8: {  	[smem:$0x3FAC] =	sst s0  }
0x9: {  	[smem:$0x3FAD] =	sst s1  }
0xa: {  	[smem:$0x3FAE] =	sst s2  }
0xb: {  	[smem:$0x3FAF] =	sst s3  }
0xc: {  	[smem:$0x3FB0] =	sst s4  }
0xd: {  	[smem:$0x3FB1] =	sst s5  }
0xe: {  	[smem:$0x3FB2] =	sst s6  }
0xf: {  	[smem:$0x3FB3] =	sst s7  }
0x10: {  	[smem:$0x3FB4] =	sst s8  }
0x11: {  	[smem:$0x3FB5] =	sst s9;
	s0 =	simm.s32 @!p0 $0x0  }
0x12: {  	s1 =	sld [smem:$0x3F9B];
	s0 =	simm.s32 @p0 $0x1  }
0x13: {  	[smem:$0x3FB6] =	sst s0;
	s0 =	simm.s32 @!p1 $0x0  }
0x14: {  	s2 =	sld [smem:$0x3F9A];
	s0 =	simm.s32 @p1 $0x1  }
0x15: {  	[smem:$0x3FB7] =	sst s0;
	s0 =	simm.s32 @!p2 $0x0  }
0x16: {  	s3 =	sld [smem:$0x3FDB];
	s0 =	simm.s32 @p2 $0x1  }
0x17: {  	s4 =	simm.s32 $0x1BF5;
	[smem:$0x3FB9] =	sst s0  }
0x18: {  	s0 =	sld [smem:$0x3F9C];
	_ =	swait.ge [sflag:s4], $0x0  }
0x19: {  	s7 =	sld [smem:$0x3F9D]  }
0x1a: {  	s8 =	sadd.s32 $0xFFFFE003, lr  }
0x1b: {  	s9 =	sadd.s32 $0xFFFFFEF7, lr;
	s5 =	simm.s32 $0xFFFFFFFF;
	p2 =	slt.u32 s8, $0xFFFFF086  }
0x1c: {  	p1 =	slt.u32 s9, $0xF7A;
	s5 =	simm.s32 @!p2 $0x0  }
0x1d: {  	s5 =	simm.s32 @p1 $0x1;
	p0 =	seq.s32 s7, s2  }
0x1e: {  	s7 =	smul.u32 @!p0 $0xF7A, s2;
	p2 =	seq.s32 @!p0 s5, $0x0  }
0x1f: {  	s9 =	smul.u32 $0xF7A, s1;
	s8 =	simm.s32 @!p0 $0x1BF5;
	p2 =	por !p2, p0  }
0x20: {  	[sflag:s8] =	ssyncset.s32 @!p0 $0xFFFFF086;
	s6 =	sadd.s32 @!p0 s3, s7;
	s7 =	simm.s32 @!p0 $0x108  }
0x21: {  	s3 =	sadd.s32 s3, s9;
	s6 =	sadd.s32 @!p0 $0x88, s6;
	s7 =	simm.s32 @p2 $0x1082  }
0x22: {  	[simem:s7], [sflag:s8] =	dma.local @!p0 [hbm:s6], $0xF7A  }
0x23: {  	s9 =	sor.u32 $0xD0000000, s2;
	s6 =	simm.s32 $0x108;
	_ =	swait.ge @!p0 [sflag:s8], $0x0  }
0x24: {  	s3 =	sadd.s32 $0x88, s3;
	s6 =	simm.s32 @!p1 $0x1082;
	[sflag:s4] =	ssyncset.s32 $0xFFFFF086  }
0x25: {  	[simem:s6], [sflag:s4] =	dma.local [hbm:s3], $0xF7A  }
0x26: {  	[smem:$0x3F9D] =	sst s1;
	(tag) =	ssettag s2;
	_ =	strace s9  }
0x27: {  	s1 =	sld [smem:$0x3FAD]  }
0x28: {  	s2 =	sld [smem:$0x3FAE]  }
0x29: {  	s4 =	sld [smem:$0x3FB0]  }
0x2a: {  	p0 =	seq.s32 s5, $0x0;
	s5 =	sld [smem:$0x3FB1]  }
0x2b: {  	s6 =	sld [smem:$0x3FB2]  }
0x2c: {  	s7 =	sld [smem:$0x3FB3]  }
0x2d: {  	s3 =	simm.s32 $0x108;
	s8 =	sld [smem:$0x3FB4]  }
0x2e: {  	s3 =	simm.s32 @!p0 $0x1082;
	s9 =	sld [smem:$0x3FB5]  }
0x2f: {  	lr =	sadd.s32 s0, s3;
	s0 =	sld [smem:$0x3FAC]  }
0x30: {  	s3 =	sld [smem:$0x3FAF]  }
0x31: {  	[smem:$0x3FB8] =	sst s10  }
0x32: {  	s10 =	sld [smem:$0x3FB6];
	_ =	sdelay $0x3  }
0x33: {  	p0 =	seq.s32 s10, $0x1;
	s10 =	sld [smem:$0x3FB8];
	_ =	sdelay $0x3  }
0x34: {  	[smem:$0x3FB8] =	sst s10  }
0x35: {  	s10 =	sld [smem:$0x3FB7];
	_ =	sdelay $0x3  }
0x36: {  	p1 =	seq.s32 s10, $0x1;
	s10 =	sld [smem:$0x3FB8];
	_ =	sdelay $0x3  }
0x37: {  	[smem:$0x3FB8] =	sst s10  }
0x38: {  	s10 =	sld [smem:$0x3FB9]  }
0x39: {  	_ = 	snop;
	(pc) =	sbr.ind lr, $3  }
0x3a: {  	_ = 	snop  }
0x3b: {  	_ = 	snop  }
0x3c: {  	p2 =	seq.s32 s10, $0x1;
	s10 =	sld [smem:$0x3FB8]  }
0x3d: {  	_ =	shalt  }
0x3e: {  	_ =	shalt  }
0x3f: {  	_ =	shalt  }
0x40: {  	_ =	shalt  }
0x41: {  	_ =	shalt  }
0x42: {  	_ =	shalt  }
0x43: {  	_ =	shalt  }
0x44: {  	_ =	shalt  }
0x45: {  	_ =	shalt  }
0x46: {  	_ =	shalt  }
0x47: {  	_ =	shalt  }
0x48: {  	_ =	shalt  }
0x49: {  	_ =	shalt  }
0x4a: {  	_ =	shalt  }
0x4b: {  	_ =	shalt  }
0x4c: {  	_ =	shalt  }
0x4d: {  	_ =	shalt  }
0x4e: {  	_ =	shalt  }
0x4f: {  	_ =	shalt  }
0x50: {  	_ =	shalt  }
0x51: {  	_ =	shalt  }
0x52: {  	_ =	shalt  }
0x53: {  	_ =	shalt  }
0x54: {  	_ =	shalt  }
0x55: {  	_ =	shalt  }
0x56: {  	_ =	shalt  }
0x57: {  	_ =	shalt  }
0x58: {  	_ =	shalt  }
0x59: {  	_ =	shalt  }
0x5a: {  	_ =	shalt  }
0x5b: {  	_ =	shalt  }
0x5c: {  	_ =	shalt  }
0x5d: {  	_ =	shalt  }
0x5e: {  	_ =	shalt  }
0x5f: {  	_ =	shalt  }
0x60: {  	_ =	shalt  }
0x61: {  	_ =	shalt  }
0x62: {  	_ =	shalt  }
0x63: {  	_ =	shalt  }
0x64: {  	_ =	shalt  }
0x65: {  	_ =	shalt  }
0x66: {  	_ =	shalt  }
0x67: {  	_ =	shalt  }
0x68: {  	_ =	shalt  }
0x69: {  	_ =	shalt  }
0x6a: {  	_ =	shalt  }
0x6b: {  	_ =	shalt  }
0x6c: {  	_ =	shalt  }
0x6d: {  	_ =	shalt  }
0x6e: {  	_ =	shalt  }
0x6f: {  	_ =	shalt  }
0x70: {  	_ =	shalt  }
0x71: {  	_ =	shalt  }
0x72: {  	_ =	shalt  }
0x73: {  	_ =	shalt  }
0x74: {  	_ =	shalt  }
0x75: {  	_ =	shalt  }
0x76: {  	_ =	shalt  }
0x77: {  	_ =	shalt  }
0x78: {  	_ =	shalt  }
0x79: {  	_ =	shalt  }
0x7a: {  	_ =	shalt  }
0x7b: {  	_ =	shalt  }
0x7c: {  	_ =	shalt  }
0x7d: {  	_ =	shalt  }
0x7e: {  	_ =	shalt  }
0x7f: {  	_ =	shalt  }
0x80: {  	_ =	shalt  }
0x81: {  	_ =	shalt  }
0x82: {  	_ =	shalt  }
0x83: {  	_ =	shalt  }
0x84: {  	_ =	shalt  }
0x85: {  	_ =	shalt  }
0x86: {  	_ =	shalt  }
0x87: {  	_ =	shalt  }
.Lfunc_end0:
.L_simem_size_0:
called_computation.1_lowered:
.L_overlay_start_0:
0x88: {  	s2 =	sld [smem:$0x3FD9]  }
0x89: {  	s3 =	sld [smem:$0x3FFE];
	_ =	sdelay $0x1  }
0x8a: {  	s1 =	srdreg.scid  }
0x8b: {  	s0 =	sand.u32 $0x1, s1  }
0x8c: {  	s17 =	sshll.u32 s0, $0xA;
	s2 =	sadd.s32 s3, s2  }
0x8d: {  	s2 =	sadd.s32 s2, s17  }
0x8e: {  	[smem:$0x3FC4] =	sst s2  }
0x8f: {  	_ = 	snop  }
0x90: {  	s2 =	sld [smem:$0x3FD0];
	(tm) =	ssettm $0x1  }
0x91: {  	s18 =	sld [smem:$0x3FFB];
	_ =	sdelay $0x3  }
0x92: {  	_ =	strace s18  }
0x93: {  	s3 =	sld [smem:$0x3FFC];
	_ =	sdelay $0x3  }
0x94: {  	_ =	strace s3  }
0x95: {  	s3 =	sld [smem:$0x3FFD];
	_ =	sdelay $0x3  }
0x96: {  	_ =	strace s3  }
0x97: {  	_ =	strace $0x8FFFFFFF  }
0x98: {  	s19 =	sld [smem:$0x3FDB];
	_ =	sdelay $0x1  }
0x99: {  	s4 =	simm.s32 $_scs_section_size  }
0x9a: {  	s5 =	simm.s32 $_size__tile_overlayer_lowered;
	s6 =	simm.s32 $_tile_overlayer_lowered  }
0x9b: {  	s22 =	simm.s32 $0x1BFF;
	s21 =	sshll.u32 s6, $0x1;
	s3 =	sadd.s32 s4, s19  }
0x9c: {  	s7 =	simm.s32 $0x0;
	s20 =	sshll.u32 s5, $0x1;
	s5 =	sadd.s32 s21, s3  }
0x9d: {  	[timem:s7], [sflag:s22] =	dma.local [hbm:s5], s20  }
0x9e: {  	_ =	swait.ge [sflag:s22], s20  }
0x9f: {  	s4 =	ssub.s32 $0x0, s20;
	[sflag:s22] =	ssyncset.done $0x0  }
0xa0: {  	[sflag:s22] =	ssyncadd.s32 s4;
	_ =	sdelay $0x1  }
0xa1: {  	s23 =	simm.s32 $0x1B8B  }
0xa2: {  	_ =	swait.ge [sflag:s23], $0x1  }
0xa3: {  	[sflag:s23] =	ssyncset.done $0x0  }
0xa4: {  	s25 =	simm.s32 $0x1B8E;
	s24 =	sld [smem:$0x3FFE];
	[sflag:s23] =	ssyncadd.s32 $0xFFFFFFFF  }
0xa5: {  	s26 =	simm.s32 $execute0_lowered;
	[smem:$0x3FD2] =	sst s25  }
0xa6: {  	s5 =	sshll.u32 s26, $0x1;
	_ =	strace $0x80000046;
	[dreg:$0x1] =	wrdreg $0xFFFFFFFF  }
0xa7: {  	s28 =	simm.s32 $_size_execute0_lowered;
	s3 =	sadd.s32 s3, s5;
	[dreg:$0x0] =	wrdreg $0x0  }
0xa8: {  	s5 =	sshll.u32 s28, $0x1;
	[dreg:$0x2] =	wrdreg s3  }
0xa9: {  	[dreg:$0x3] =	wrdreg s5  }
0xaa: {  	[dreg:$0x4] =	wrdreg $0xC0  }
0xab: {  	_ =	task [dreg:s7], $0x5FFFF  }
0xac: {  	[dreg:$0x1] =	wrdreg $0xFFFFFFFF  }
0xad: {  	[dreg:$0x0] =	wrdreg $0x60  }
0xae: {  	[dreg:$0x2] =	wrdreg s24  }
0xaf: {  	[dreg:$0x3] =	wrdreg s2  }
0xb0: {  	[dreg:$0x4] =	wrdreg $0x9  }
0xb1: {  	_ =	task.clear_ibuf [dreg:s7], $0x5FFFF;
	_ =	strace $0x90000046  }
0xb2: {  	s29 =	simm.s32 $0x9;
	_ =	strace $0x80000048  }
0xb3: {  	_ =	swait.ge [sflag:s29], $0x1  }
0xb4: {  	[sflag:s29] =	ssyncadd.s32 $0xFFFFFFFF  }
0xb5: {  	_ =	strace $0x90000048  }
0xb6: {  	_ =	sfence  }
0xb7: {  	s30 =	sld [smem:$0x0];
	_ =	sdelay $0x2  }
0xb8: {  	s31 =	sshll.u32 s1, $0xD;
	s1 =	sshrl.u32 s1, $0x2  }
0xb9: {  	s3 =	sand.u32 $0x4000, s31;
	s1 =	sadd.s32 s1, s30  }
0xba: {  	s0 =	sor.u32 s3, s0;
	s1 =	sshll.u32 s1, $0x11  }
0xbb: {  	s0 =	sor.u32 s1, s0  }
0xbc: {  	s0 =	sadd.s32 $0x8F2B, s0  }
0xbd: {  	[sflag:s0] =	ssyncadd.remote.s32 $0x1  }
0xbe: {  	_ =	sfence.sel $0xFFFF  }
0xbf: {  	[dreg:$0x0] =	wrdreg $0xFFFFFFFF;
	(pc) =	sbr.abs _section_cstart, $3  }
0xc0: {  	[dreg:$0x1] =	wrdreg $0xFFFFFFFF  }
0xc1: {  	_ =	task.clear_ibuf [dreg:s7], $0x2FFFF;
	_ =	strace $0x9FFFFFFF  }
0xc2: {  	(tm) =	ssettm $0x7FFFFFFF  }
0xc3: {  	_ =	shalt  }
tec
execute0_lowered:
.L_overlay_start_1:
0x0: {  	(tag) =	ssettag $0x1  }
0x1: {  	s4 =	rddreg [dreg:$0x0]  }
0x2: {  	s2 =	srdreg.scid;
	s0 =	stileid.u32  }
0x3: {  	s31 =	rddreg [dreg:$0x1];
	s5 =	sand.u32 $0x1, s2;
	s3 =	sshll.u32 s0, $0x1  }
0x4: {  	s2 =	simm.s32 $0x0;
	[dreg:$0xe] =	wrdreg s5;
	s3 =	sor.u32 s5, s3  }
0x5: {  	[smem:$0x7FF] =	sst s2;
	s30 =	smul.u32 $0x6400, s3  }
0x6: {  	s29 =	sadd.s32 $0xA00, s4;
	_ =	strace $0x80000047;
	s3 =	smul.u32 $0x19000, s3  }
0x7: {  	s21 =	sshrl.u32 s30, $0x3;
	s6 =	sadd.s32 $0x640, s30;
	s23 =	sadd.s32 $0xC80, s30  }
0x8: {  	s3 =	sadd.s32 s31, s3;
	s1 =	sadd.s32 $0x12C0, s30;
	s10 =	sadd.s32 $0x1900, s30  }
0x9: {  	s5 =	sadd.s32 s29, s21;
	s7 =	sshrl.u32 s6, $0x3;
	[dreg:$0x5] =	wrdreg s3  }
0xa: {  	s24 =	sshrl.u32 s23, $0x3;
	[dreg:$0x3] =	wrdreg s5;
	s22 =	sadd.s32 s29, s7  }
0xb: {  	s26 =	sshll.u32 s6, $0x2;
	s25 =	sadd.s32 s29, s24;
	[dreg:$0x4] =	wrdreg s22  }
0xc: {  	s8 =	sshrl.u32 s1, $0x3;
	s0 =	sadd.s32 s31, s26;
	[dreg:$0x6] =	wrdreg s25  }
0xd: {  	s9 =	sshll.u32 s23, $0x2;
	s3 =	sadd.s32 s29, s8;
	[dreg:$0x7] =	wrdreg s0  }
0xe: {  	s12 =	sshrl.u32 s10, $0x3;
	s11 =	sadd.s32 s31, s9;
	[dreg:$0x8] =	wrdreg s3  }
0xf: {  	s13 =	sadd.s32 s29, s12;
	[dreg:$0x9] =	wrdreg s11  }
0x10: {  	s16 =	sshll.u32 s10, $0x2;
	s5 =	sshll.u32 s1, $0x2;
	[dreg:$0xa] =	wrdreg s13  }
0x11: {  	s18 =	sadd.s32 s31, s16;
	s11 =	sadd.s32 $0x1F40, s30;
	s17 =	rddreg [dreg:$0x3]  }
0x12: {  	s14 =	sadd.s32 s31, s5;
	[dreg:$0xd] =	wrdreg s18;
	s15 =	sshrl.u32 s11, $0x3  }
0x13: {  	[tilespmem:s2], [sflag:$0x3] =	stream.linear.gather [hbm4b:s17+s2], $0x640, $0x38;
	[tilespmem:$0x19C80] =	vst v63  }
0x14: {  	[dreg:$0xb] =	wrdreg s14;
	s3 =	sadd.s32 s29, s15  }
0x15: {  	[dreg:$0xc] =	wrdreg s3;
	s3 =	simm.s32 $0x3  }
0x16: {  	_ =	swait.ge [sflag:s3], $0x640  }
0x17: {  	s4 =	sadd.s32 $0x19A00, s4;
	[sflag:s3] =	ssyncset.done $0x0  }
0x18: {  	s6 =	simm.s32 $0xC80;
	s5 =	simm.s32 $0x640;
	[sflag:s3] =	ssyncadd.s32 $0xFFFFF9C0  }
0x19: {  	[tilespmem:s6], [sflag:$0x1] =	stream.indirect.gather [hbm4b:s4+s5], $0x20, s2, s5, $0xb8;
	[tilespmem:$0x19C80] =	vst v63  }
0x1a: {  	s19 =	rddreg [dreg:$0x4]  }
0x1b: {  	[tilespmem:s5], [sflag:$0x3] =	stream.linear.gather [hbm4b:s19+s2], $0x640, $0x38;
	[tilespmem:$0x19C80] =	vst v63  }
0x1c: {  	_ =	swait.ge [sflag:s3], $0x640  }
0x1d: {  	[sflag:s3] =	ssyncset.done $0x0  }
0x1e: {  	s7 =	simm.s32 $0x1;
	[sflag:s3] =	ssyncadd.s32 $0xFFFFF9C0  }
0x1f: {  	_ =	swait.ge [sflag:s7], $0xC800  }
0x20: {  	[sflag:s7] =	ssyncset.done $0x0  }
0x21: {  	s8 =	simm.s32 $0xD480;
	[sflag:s7] =	ssyncadd.s32 $0xFFFF3800  }
0x22: {  	[tilespmem:s8], [sflag:$0x2] =	stream.indirect.gather [hbm4b:s4+s5], $0x20, s5, s5, $0xb8;
	[tilespmem:$0x19C80] =	vst v63  }
0x23: {  	s9 =	rddreg [dreg:$0x5]  }
0x24: {  	[hbm4b:s9+s2] =	stream.linear.scatter [tilespmem:s6], [sflag:$0x3], $0xC800, $0x38;
	[tilespmem:$0x19C80] =	vst v63  }
0x25: {  	_ =	swait.ge [sflag:s3], $0xC800  }
0x26: {  	[sflag:s3] =	ssyncset.done $0x0  }
0x27: {  	s20 =	rddreg [dreg:$0x6];
	[sflag:s3] =	ssyncadd.s32 $0xFFFF3800  }
0x28: {  	[tilespmem:s2], [sflag:$0x3] =	stream.linear.gather [hbm4b:s20+s2], $0x640, $0x38;
	[tilespmem:$0x19C80] =	vst v63  }
0x29: {  	_ =	swait.ge [sflag:s3], $0x640  }
0x2a: {  	[sflag:s3] =	ssyncset.done $0x0  }
0x2b: {  	s9 =	simm.s32 $0x2;
	[sflag:s3] =	ssyncadd.s32 $0xFFFFF9C0  }
0x2c: {  	_ =	swait.ge [sflag:s9], $0xC800  }
0x2d: {  	[sflag:s9] =	ssyncset.done $0x0  }
0x2e: {  	[sflag:s9] =	ssyncadd.s32 $0xFFFF3800  }
0x2f: {  	[tilespmem:s6], [sflag:$0x1] =	stream.indirect.gather [hbm4b:s4+s5], $0x20, s2, s5, $0xb8;
	[tilespmem:$0x19C80] =	vst v63  }
0x30: {  	s10 =	rddreg [dreg:$0x7]  }
0x31: {  	[hbm4b:s10+s2] =	stream.linear.scatter [tilespmem:s8], [sflag:$0x3], $0xC800, $0x38;
	[tilespmem:$0x19C80] =	vst v63  }
0x32: {  	_ =	swait.ge [sflag:s3], $0xC800  }
0x33: {  	[sflag:s3] =	ssyncset.done $0x0  }
0x34: {  	s21 =	rddreg [dreg:$0x8];
	[sflag:s3] =	ssyncadd.s32 $0xFFFF3800  }
0x35: {  	[tilespmem:s5], [sflag:$0x3] =	stream.linear.gather [hbm4b:s21+s2], $0x640, $0x38;
	[tilespmem:$0x19C80] =	vst v63  }
0x36: {  	_ =	swait.ge [sflag:s3], $0x640  }
0x37: {  	[sflag:s3] =	ssyncset.done $0x0  }
0x38: {  	[sflag:s3] =	ssyncadd.s32 $0xFFFFF9C0  }
0x39: {  	_ =	swait.ge [sflag:s7], $0xC800  }
0x3a: {  	[sflag:s7] =	ssyncset.done $0x0  }
0x3b: {  	[sflag:s7] =	ssyncadd.s32 $0xFFFF3800  }
0x3c: {  	[tilespmem:s8], [sflag:$0x2] =	stream.indirect.gather [hbm4b:s4+s5], $0x20, s5, s5, $0xb8;
	[tilespmem:$0x19C80] =	vst v63  }
0x3d: {  	s22 =	rddreg [dreg:$0x9]  }
0x3e: {  	[hbm4b:s22+s2] =	stream.linear.scatter [tilespmem:s6], [sflag:$0x3], $0xC800, $0x38;
	[tilespmem:$0x19C80] =	vst v63  }
0x3f: {  	_ =	swait.ge [sflag:s3], $0xC800  }
0x40: {  	[sflag:s3] =	ssyncset.done $0x0  }
0x41: {  	s23 =	rddreg [dreg:$0xa];
	[sflag:s3] =	ssyncadd.s32 $0xFFFF3800  }
0x42: {  	[tilespmem:s2], [sflag:$0x3] =	stream.linear.gather [hbm4b:s23+s2], $0x640, $0x38;
	[tilespmem:$0x19C80] =	vst v63  }
0x43: {  	_ =	swait.ge [sflag:s3], $0x640  }
0x44: {  	[sflag:s3] =	ssyncset.done $0x0  }
0x45: {  	[sflag:s3] =	ssyncadd.s32 $0xFFFFF9C0  }
0x46: {  	_ =	swait.ge [sflag:s9], $0xC800  }
0x47: {  	[sflag:s9] =	ssyncset.done $0x0  }
0x48: {  	[sflag:s9] =	ssyncadd.s32 $0xFFFF3800  }
0x49: {  	[tilespmem:s6], [sflag:$0x1] =	stream.indirect.gather [hbm4b:s4+s5], $0x20, s2, s5, $0xb8;
	[tilespmem:$0x19C80] =	vst v63  }
0x4a: {  	s24 =	rddreg [dreg:$0xb]  }
0x4b: {  	[hbm4b:s24+s2] =	stream.linear.scatter [tilespmem:s8], [sflag:$0x3], $0xC800, $0x38;
	[tilespmem:$0x19C80] =	vst v63  }
0x4c: {  	_ =	swait.ge [sflag:s3], $0xC800  }
0x4d: {  	[sflag:s3] =	ssyncset.done $0x0  }
0x4e: {  	s25 =	rddreg [dreg:$0xc];
	[sflag:s3] =	ssyncadd.s32 $0xFFFF3800  }
0x4f: {  	[tilespmem:s5], [sflag:$0x3] =	stream.linear.gather [hbm4b:s25+s2], $0x640, $0x38;
	[tilespmem:$0x19C80] =	vst v63  }
0x50: {  	_ =	swait.ge [sflag:s3], $0x640  }
0x51: {  	[sflag:s3] =	ssyncset.done $0x0  }
0x52: {  	[sflag:s3] =	ssyncadd.s32 $0xFFFFF9C0  }
0x53: {  	_ =	swait.ge [sflag:s7], $0xC800  }
0x54: {  	[sflag:s7] =	ssyncset.done $0x0  }
0x55: {  	[sflag:s7] =	ssyncadd.s32 $0xFFFF3800  }
0x56: {  	[tilespmem:s8], [sflag:$0x2] =	stream.indirect.gather [hbm4b:s4+s5], $0x20, s5, s5, $0xb8;
	[tilespmem:$0x19C80] =	vst v63  }
0x57: {  	s26 =	rddreg [dreg:$0xd]  }
0x58: {  	[hbm4b:s26+s2] =	stream.linear.scatter [tilespmem:s6], [sflag:$0x3], $0xC800, $0x38;
	[tilespmem:$0x19C80] =	vst v63  }
0x59: {  	s13 =	sadd.s32 $0x2580, s30;
	_ =	swait.ge [sflag:s3], $0xC800  }
0x5a: {  	s0 =	sshrl.u32 s13, $0x3;
	[sflag:s3] =	ssyncset.done $0x0  }
0x5b: {  	s10 =	sadd.s32 s29, s0;
	[sflag:s3] =	ssyncadd.s32 $0xFFFF3800  }
0x5c: {  	[tilespmem:s2], [sflag:$0x3] =	stream.linear.gather [hbm4b:s10+s2], $0x640, $0x38;
	[tilespmem:$0x19C80] =	vst v63  }
0x5d: {  	_ =	swait.ge [sflag:s3], $0x640  }
0x5e: {  	[sflag:s3] =	ssyncset.done $0x0  }
0x5f: {  	[sflag:s3] =	ssyncadd.s32 $0xFFFFF9C0  }
0x60: {  	_ =	swait.ge [sflag:s9], $0xC800  }
0x61: {  	[sflag:s9] =	ssyncset.done $0x0  }
0x62: {  	s11 =	sshll.u32 s11, $0x2;
	[sflag:s9] =	ssyncadd.s32 $0xFFFF3800  }
0x63: {  	[tilespmem:s6], [sflag:$0x1] =	stream.indirect.gather [hbm4b:s4+s5], $0x20, s2, s5, $0xb8;
	[tilespmem:$0x19C80] =	vst v63  }
0x64: {  	s11 =	sadd.s32 s31, s11  }
0x65: {  	[hbm4b:s11+s2] =	stream.linear.scatter [tilespmem:s8], [sflag:$0x3], $0xC800, $0x38;
	[tilespmem:$0x19C80] =	vst v63  }
0x66: {  	s15 =	sadd.s32 $0x2BC0, s30;
	_ =	swait.ge [sflag:s3], $0xC800  }
0x67: {  	s12 =	sshrl.u32 s15, $0x3;
	[sflag:s3] =	ssyncset.done $0x0  }
0x68: {  	s12 =	sadd.s32 s29, s12;
	[sflag:s3] =	ssyncadd.s32 $0xFFFF3800  }
0x69: {  	[tilespmem:s5], [sflag:$0x3] =	stream.linear.gather [hbm4b:s12+s2], $0x640, $0x38;
	[tilespmem:$0x19C80] =	vst v63  }
0x6a: {  	_ =	swait.ge [sflag:s3], $0x640  }
0x6b: {  	[sflag:s3] =	ssyncset.done $0x0  }
0x6c: {  	[sflag:s3] =	ssyncadd.s32 $0xFFFFF9C0  }
0x6d: {  	_ =	swait.ge [sflag:s7], $0xC800  }
0x6e: {  	[sflag:s7] =	ssyncset.done $0x0  }
0x6f: {  	s13 =	sshll.u32 s13, $0x2;
	[sflag:s7] =	ssyncadd.s32 $0xFFFF3800  }
0x70: {  	[tilespmem:s8], [sflag:$0x2] =	stream.indirect.gather [hbm4b:s4+s5], $0x20, s5, s5, $0xb8;
	[tilespmem:$0x19C80] =	vst v63  }
0x71: {  	s13 =	sadd.s32 s31, s13  }
0x72: {  	[hbm4b:s13+s2] =	stream.linear.scatter [tilespmem:s6], [sflag:$0x3], $0xC800, $0x38;
	[tilespmem:$0x19C80] =	vst v63  }
0x73: {  	s17 =	sadd.s32 $0x3200, s30;
	_ =	swait.ge [sflag:s3], $0xC800  }
0x74: {  	s14 =	sshrl.u32 s17, $0x3;
	[sflag:s3] =	ssyncset.done $0x0  }
0x75: {  	s14 =	sadd.s32 s29, s14;
	[sflag:s3] =	ssyncadd.s32 $0xFFFF3800  }
0x76: {  	[tilespmem:s2], [sflag:$0x3] =	stream.linear.gather [hbm4b:s14+s2], $0x640, $0x38;
	[tilespmem:$0x19C80] =	vst v63  }
0x77: {  	_ =	swait.ge [sflag:s3], $0x640  }
0x78: {  	[sflag:s3] =	ssyncset.done $0x0  }
0x79: {  	[sflag:s3] =	ssyncadd.s32 $0xFFFFF9C0  }
0x7a: {  	_ =	swait.ge [sflag:s9], $0xC800  }
0x7b: {  	[sflag:s9] =	ssyncset.done $0x0  }
0x7c: {  	s15 =	sshll.u32 s15, $0x2;
	[sflag:s9] =	ssyncadd.s32 $0xFFFF3800  }
0x7d: {  	[tilespmem:s6], [sflag:$0x1] =	stream.indirect.gather [hbm4b:s4+s5], $0x20, s2, s5, $0xb8;
	[tilespmem:$0x19C80] =	vst v63  }
0x7e: {  	s15 =	sadd.s32 s31, s15  }
0x7f: {  	[hbm4b:s15+s2] =	stream.linear.scatter [tilespmem:s8], [sflag:$0x3], $0xC800, $0x38;
	[tilespmem:$0x19C80] =	vst v63  }
0x80: {  	s19 =	sadd.s32 $0x3840, s30;
	_ =	swait.ge [sflag:s3], $0xC800  }
0x81: {  	s16 =	sshrl.u32 s19, $0x3;
	[sflag:s3] =	ssyncset.done $0x0  }
0x82: {  	s16 =	sadd.s32 s29, s16;
	[sflag:s3] =	ssyncadd.s32 $0xFFFF3800  }
0x83: {  	[tilespmem:s5], [sflag:$0x3] =	stream.linear.gather [hbm4b:s16+s2], $0x640, $0x38;
	[tilespmem:$0x19C80] =	vst v63  }
0x84: {  	_ =	swait.ge [sflag:s3], $0x640  }
0x85: {  	[sflag:s3] =	ssyncset.done $0x0  }
0x86: {  	[sflag:s3] =	ssyncadd.s32 $0xFFFFF9C0  }
0x87: {  	_ =	swait.ge [sflag:s7], $0xC800  }
0x88: {  	[sflag:s7] =	ssyncset.done $0x0  }
0x89: {  	s17 =	sshll.u32 s17, $0x2;
	[sflag:s7] =	ssyncadd.s32 $0xFFFF3800  }
0x8a: {  	[tilespmem:s8], [sflag:$0x2] =	stream.indirect.gather [hbm4b:s4+s5], $0x20, s5, s5, $0xb8;
	[tilespmem:$0x19C80] =	vst v63  }
0x8b: {  	s17 =	sadd.s32 s31, s17  }
0x8c: {  	[hbm4b:s17+s2] =	stream.linear.scatter [tilespmem:s6], [sflag:$0x3], $0xC800, $0x38;
	[tilespmem:$0x19C80] =	vst v63  }
0x8d: {  	s21 =	sadd.s32 $0x3E80, s30;
	_ =	swait.ge [sflag:s3], $0xC800  }
0x8e: {  	s18 =	sshrl.u32 s21, $0x3;
	[sflag:s3] =	ssyncset.done $0x0  }
0x8f: {  	s18 =	sadd.s32 s29, s18;
	[sflag:s3] =	ssyncadd.s32 $0xFFFF3800  }
0x90: {  	[tilespmem:s2], [sflag:$0x3] =	stream.linear.gather [hbm4b:s18+s2], $0x640, $0x38;
	[tilespmem:$0x19C80] =	vst v63  }
0x91: {  	_ =	swait.ge [sflag:s3], $0x640  }
0x92: {  	[sflag:s3] =	ssyncset.done $0x0  }
0x93: {  	[sflag:s3] =	ssyncadd.s32 $0xFFFFF9C0  }
0x94: {  	_ =	swait.ge [sflag:s9], $0xC800  }
0x95: {  	[sflag:s9] =	ssyncset.done $0x0  }
0x96: {  	s19 =	sshll.u32 s19, $0x2;
	[sflag:s9] =	ssyncadd.s32 $0xFFFF3800  }
0x97: {  	[tilespmem:s6], [sflag:$0x1] =	stream.indirect.gather [hbm4b:s4+s5], $0x20, s2, s5, $0xb8;
	[tilespmem:$0x19C80] =	vst v63  }
0x98: {  	s19 =	sadd.s32 s31, s19  }
0x99: {  	[hbm4b:s19+s2] =	stream.linear.scatter [tilespmem:s8], [sflag:$0x3], $0xC800, $0x38;
	[tilespmem:$0x19C80] =	vst v63  }
0x9a: {  	s23 =	sadd.s32 $0x44C0, s30;
	_ =	swait.ge [sflag:s3], $0xC800  }
0x9b: {  	s20 =	sshrl.u32 s23, $0x3;
	[sflag:s3] =	ssyncset.done $0x0  }
0x9c: {  	s20 =	sadd.s32 s29, s20;
	[sflag:s3] =	ssyncadd.s32 $0xFFFF3800  }
0x9d: {  	[tilespmem:s5], [sflag:$0x3] =	stream.linear.gather [hbm4b:s20+s2], $0x640, $0x38;
	[tilespmem:$0x19C80] =	vst v63  }
0x9e: {  	_ =	swait.ge [sflag:s3], $0x640  }
0x9f: {  	[sflag:s3] =	ssyncset.done $0x0  }
0xa0: {  	[sflag:s3] =	ssyncadd.s32 $0xFFFFF9C0  }
0xa1: {  	_ =	swait.ge [sflag:s7], $0xC800  }
0xa2: {  	[sflag:s7] =	ssyncset.done $0x0  }
0xa3: {  	s21 =	sshll.u32 s21, $0x2;
	[sflag:s7] =	ssyncadd.s32 $0xFFFF3800  }
0xa4: {  	[tilespmem:s8], [sflag:$0x2] =	stream.indirect.gather [hbm4b:s4+s5], $0x20, s5, s5, $0xb8;
	[tilespmem:$0x19C80] =	vst v63  }
0xa5: {  	s21 =	sadd.s32 s31, s21  }
0xa6: {  	[hbm4b:s21+s2] =	stream.linear.scatter [tilespmem:s6], [sflag:$0x3], $0xC800, $0x38;
	[tilespmem:$0x19C80] =	vst v63  }
0xa7: {  	s25 =	sadd.s32 $0x4B00, s30;
	_ =	swait.ge [sflag:s3], $0xC800  }
0xa8: {  	s22 =	sshrl.u32 s25, $0x3;
	[sflag:s3] =	ssyncset.done $0x0  }
0xa9: {  	s22 =	sadd.s32 s29, s22;
	[sflag:s3] =	ssyncadd.s32 $0xFFFF3800  }
0xaa: {  	[tilespmem:s2], [sflag:$0x3] =	stream.linear.gather [hbm4b:s22+s2], $0x640, $0x38;
	[tilespmem:$0x19C80] =	vst v63  }
0xab: {  	_ =	swait.ge [sflag:s3], $0x640  }
0xac: {  	[sflag:s3] =	ssyncset.done $0x0  }
0xad: {  	[sflag:s3] =	ssyncadd.s32 $0xFFFFF9C0  }
0xae: {  	_ =	swait.ge [sflag:s9], $0xC800  }
0xaf: {  	[sflag:s9] =	ssyncset.done $0x0  }
0xb0: {  	s23 =	sshll.u32 s23, $0x2;
	[sflag:s9] =	ssyncadd.s32 $0xFFFF3800  }
0xb1: {  	[tilespmem:s6], [sflag:$0x1] =	stream.indirect.gather [hbm4b:s4+s5], $0x20, s2, s5, $0xb8;
	[tilespmem:$0x19C80] =	vst v63  }
0xb2: {  	s23 =	sadd.s32 s31, s23  }
0xb3: {  	[hbm4b:s23+s2] =	stream.linear.scatter [tilespmem:s8], [sflag:$0x3], $0xC800, $0x38;
	[tilespmem:$0x19C80] =	vst v63  }
0xb4: {  	s28 =	sadd.s32 $0x5140, s30;
	_ =	swait.ge [sflag:s3], $0xC800  }
0xb5: {  	s24 =	sshrl.u32 s28, $0x3;
	[sflag:s3] =	ssyncset.done $0x0  }
0xb6: {  	s24 =	sadd.s32 s29, s24;
	[sflag:s3] =	ssyncadd.s32 $0xFFFF3800  }
0xb7: {  	[tilespmem:s5], [sflag:$0x3] =	stream.linear.gather [hbm4b:s24+s2], $0x640, $0x38;
	[tilespmem:$0x19C80] =	vst v63  }
0xb8: {  	_ =	swait.ge [sflag:s3], $0x640  }
0xb9: {  	[sflag:s3] =	ssyncset.done $0x0  }
0xba: {  	[sflag:s3] =	ssyncadd.s32 $0xFFFFF9C0  }
0xbb: {  	_ =	swait.ge [sflag:s7], $0xC800  }
0xbc: {  	[sflag:s7] =	ssyncset.done $0x0  }
0xbd: {  	s25 =	sshll.u32 s25, $0x2;
	[sflag:s7] =	ssyncadd.s32 $0xFFFF3800  }
0xbe: {  	[tilespmem:s8], [sflag:$0x2] =	stream.indirect.gather [hbm4b:s4+s5], $0x20, s5, s5, $0xb8;
	[tilespmem:$0x19C80] =	vst v63  }
0xbf: {  	s25 =	sadd.s32 s31, s25  }
0xc0: {  	[hbm4b:s25+s2] =	stream.linear.scatter [tilespmem:s6], [sflag:$0x3], $0xC800, $0x38;
	[tilespmem:$0x19C80] =	vst v63  }
0xc1: {  	s1 =	sadd.s32 $0x5780, s30;
	_ =	swait.ge [sflag:s3], $0xC800  }
0xc2: {  	s26 =	sshrl.u32 s1, $0x3;
	[sflag:s3] =	ssyncset.done $0x0  }
0xc3: {  	s26 =	sadd.s32 s29, s26;
	[sflag:s3] =	ssyncadd.s32 $0xFFFF3800  }
0xc4: {  	[tilespmem:s2], [sflag:$0x3] =	stream.linear.gather [hbm4b:s26+s2], $0x640, $0x38;
	[tilespmem:$0x19C80] =	vst v63  }
0xc5: {  	_ =	swait.ge [sflag:s3], $0x640  }
0xc6: {  	[sflag:s3] =	ssyncset.done $0x0  }
0xc7: {  	[sflag:s3] =	ssyncadd.s32 $0xFFFFF9C0  }
0xc8: {  	_ =	swait.ge [sflag:s9], $0xC800  }
0xc9: {  	[sflag:s9] =	ssyncset.done $0x0  }
0xca: {  	s28 =	sshll.u32 s28, $0x2;
	[sflag:s9] =	ssyncadd.s32 $0xFFFF3800  }
0xcb: {  	[tilespmem:s6], [sflag:$0x1] =	stream.indirect.gather [hbm4b:s4+s5], $0x20, s2, s5, $0xb8;
	[tilespmem:$0x19C80] =	vst v63  }
0xcc: {  	s28 =	sadd.s32 s31, s28  }
0xcd: {  	[hbm4b:s28+s2] =	stream.linear.scatter [tilespmem:s8], [sflag:$0x3], $0xC800, $0x38;
	[tilespmem:$0x19C80] =	vst v63  }
0xce: {  	s0 =	sadd.s32 $0x5DC0, s30;
	_ =	swait.ge [sflag:s3], $0xC800  }
0xcf: {  	s30 =	sshrl.u32 s0, $0x3;
	[sflag:s3] =	ssyncset.done $0x0  }
0xd0: {  	s29 =	sadd.s32 s29, s30;
	[sflag:s3] =	ssyncadd.s32 $0xFFFF3800  }
0xd1: {  	[tilespmem:s5], [sflag:$0x3] =	stream.linear.gather [hbm4b:s29+s2], $0x640, $0x38;
	[tilespmem:$0x19C80] =	vst v63  }
0xd2: {  	_ =	swait.ge [sflag:s3], $0x640  }
0xd3: {  	[sflag:s3] =	ssyncset.done $0x0  }
0xd4: {  	[sflag:s3] =	ssyncadd.s32 $0xFFFFF9C0  }
0xd5: {  	_ =	swait.ge [sflag:s7], $0xC800  }
0xd6: {  	[sflag:s7] =	ssyncset.done $0x0  }
0xd7: {  	s1 =	sshll.u32 s1, $0x2;
	[sflag:s7] =	ssyncadd.s32 $0xFFFF3800  }
0xd8: {  	[tilespmem:s8], [sflag:$0x2] =	stream.indirect.gather [hbm4b:s4+s5], $0x20, s5, s5, $0xb8;
	[tilespmem:$0x19C80] =	vst v63  }
0xd9: {  	s30 =	sadd.s32 s31, s1  }
0xda: {  	[hbm4b:s30+s2] =	stream.linear.scatter [tilespmem:s6], [sflag:$0x3], $0xC800, $0x38;
	[tilespmem:$0x19C80] =	vst v63  }
0xdb: {  	_ =	swait.ge [sflag:s3], $0xC800  }
0xdc: {  	s1 =	rddreg [dreg:$0xe]  }
0xdd: {  	s1 =	ssub.s32 $0x2, s1  }
0xde: {  	s31 =	sshrl.u32 s1, $0x1  }
0xdf: {  	[sflag:s3] =	ssyncset.done $0x0;
	s1 =	ssub.s32 s1, s31  }
0xe0: {  	[sflag:s3] =	ssyncadd.s32 $0xFFFF3800;
	s1 =	smax.u32 s1, $0x1  }
0xe1: {  	_ =	swait.ge [sflag:s9], $0xC800;
	p0 =	sne.s32 s1, $0x1  }
.Ltmp0:
0xe2: {  	[sflag:s9] =	ssyncset.done $0x0;
	(pc) =	sbr.rel @!p0 .LBB2_2-.Ltmp0, $4  }
0xe3: {  	s0 =	sshll.u32 s0, $0x2;
	s31 =	rddreg [dreg:$0x1]  }
0xe4: {  	[sflag:s9] =	ssyncadd.s32 $0xFFFF3800;
	s31 =	sadd.s32 s31, s0  }
0xe5: {  	[hbm4b:s31+s2] =	stream.linear.scatter [tilespmem:s8], [sflag:$0x3], $0xC800, $0x38;
	[tilespmem:$0x19C80] =	vst v63  }
0xe6: {  	s1 =	sadd.s32 $0xFFFFFFFF, s1;
	_ =	swait.ge [sflag:s3], $0xC800  }
.LBB2_1:
0xe7: {  	[sflag:s3] =	ssyncset.done $0x0  }
0xe8: {  	s0 =	rddreg [dreg:$0x3];
	[sflag:s3] =	ssyncadd.s32 $0xFFFF3800  }
0xe9: {  	[tilespmem:s2], [sflag:$0x3] =	stream.linear.gather [hbm4b:s0+s2], $0x640, $0x38;
	[tilespmem:$0x19C80] =	vst v63  }
0xea: {  	_ =	swait.ge [sflag:s3], $0x640  }
0xeb: {  	[sflag:s3] =	ssyncset.done $0x0  }
0xec: {  	[sflag:s3] =	ssyncadd.s32 $0xFFFFF9C0  }
0xed: {  	[tilespmem:s6], [sflag:$0x1] =	stream.indirect.gather [hbm4b:s4+s5], $0x20, s2, s5, $0xb8;
	[tilespmem:$0x19C80] =	vst v63  }
0xee: {  	s0 =	rddreg [dreg:$0x4]  }
0xef: {  	[tilespmem:s5], [sflag:$0x3] =	stream.linear.gather [hbm4b:s0+s2], $0x640, $0x38;
	[tilespmem:$0x19C80] =	vst v63  }
0xf0: {  	_ =	swait.ge [sflag:s3], $0x640  }
0xf1: {  	[sflag:s3] =	ssyncset.done $0x0  }
0xf2: {  	[sflag:s3] =	ssyncadd.s32 $0xFFFFF9C0  }
0xf3: {  	_ =	swait.ge [sflag:s7], $0xC800  }
0xf4: {  	[sflag:s7] =	ssyncset.done $0x0  }
0xf5: {  	[sflag:s7] =	ssyncadd.s32 $0xFFFF3800  }
0xf6: {  	[tilespmem:s8], [sflag:$0x2] =	stream.indirect.gather [hbm4b:s4+s5], $0x20, s5, s5, $0xb8;
	[tilespmem:$0x19C80] =	vst v63  }
0xf7: {  	s0 =	rddreg [dreg:$0x5]  }
0xf8: {  	[hbm4b:s0+s2] =	stream.linear.scatter [tilespmem:s6], [sflag:$0x3], $0xC800, $0x38;
	[tilespmem:$0x19C80] =	vst v63  }
0xf9: {  	_ =	swait.ge [sflag:s3], $0xC800  }
0xfa: {  	[sflag:s3] =	ssyncset.done $0x0  }
0xfb: {  	s0 =	rddreg [dreg:$0x6];
	[sflag:s3] =	ssyncadd.s32 $0xFFFF3800  }
0xfc: {  	[tilespmem:s2], [sflag:$0x3] =	stream.linear.gather [hbm4b:s0+s2], $0x640, $0x38;
	[tilespmem:$0x19C80] =	vst v63  }
0xfd: {  	_ =	swait.ge [sflag:s3], $0x640  }
0xfe: {  	[sflag:s3] =	ssyncset.done $0x0  }
0xff: {  	[sflag:s3] =	ssyncadd.s32 $0xFFFFF9C0  }
0x100: {  	_ =	swait.ge [sflag:s9], $0xC800  }
0x101: {  	[sflag:s9] =	ssyncset.done $0x0  }
0x102: {  	[sflag:s9] =	ssyncadd.s32 $0xFFFF3800  }
0x103: {  	[tilespmem:s6], [sflag:$0x1] =	stream.indirect.gather [hbm4b:s4+s5], $0x20, s2, s5, $0xb8;
	[tilespmem:$0x19C80] =	vst v63  }
0x104: {  	s0 =	rddreg [dreg:$0x7]  }
0x105: {  	[hbm4b:s0+s2] =	stream.linear.scatter [tilespmem:s8], [sflag:$0x3], $0xC800, $0x38;
	[tilespmem:$0x19C80] =	vst v63  }
0x106: {  	_ =	swait.ge [sflag:s3], $0xC800  }
0x107: {  	[sflag:s3] =	ssyncset.done $0x0  }
0x108: {  	s0 =	rddreg [dreg:$0x8];
	[sflag:s3] =	ssyncadd.s32 $0xFFFF3800  }
0x109: {  	[tilespmem:s5], [sflag:$0x3] =	stream.linear.gather [hbm4b:s0+s2], $0x640, $0x38;
	[tilespmem:$0x19C80] =	vst v63  }
0x10a: {  	_ =	swait.ge [sflag:s3], $0x640  }
0x10b: {  	[sflag:s3] =	ssyncset.done $0x0  }
0x10c: {  	[sflag:s3] =	ssyncadd.s32 $0xFFFFF9C0  }
0x10d: {  	_ =	swait.ge [sflag:s7], $0xC800  }
0x10e: {  	[sflag:s7] =	ssyncset.done $0x0  }
0x10f: {  	[sflag:s7] =	ssyncadd.s32 $0xFFFF3800  }
0x110: {  	[tilespmem:s8], [sflag:$0x2] =	stream.indirect.gather [hbm4b:s4+s5], $0x20, s5, s5, $0xb8;
	[tilespmem:$0x19C80] =	vst v63  }
0x111: {  	s0 =	rddreg [dreg:$0x9]  }
0x112: {  	[hbm4b:s0+s2] =	stream.linear.scatter [tilespmem:s6], [sflag:$0x3], $0xC800, $0x38;
	[tilespmem:$0x19C80] =	vst v63  }
0x113: {  	_ =	swait.ge [sflag:s3], $0xC800  }
0x114: {  	[sflag:s3] =	ssyncset.done $0x0  }
0x115: {  	s0 =	rddreg [dreg:$0xa];
	[sflag:s3] =	ssyncadd.s32 $0xFFFF3800  }
0x116: {  	[tilespmem:s2], [sflag:$0x3] =	stream.linear.gather [hbm4b:s0+s2], $0x640, $0x38;
	[tilespmem:$0x19C80] =	vst v63  }
0x117: {  	_ =	swait.ge [sflag:s3], $0x640  }
0x118: {  	[sflag:s3] =	ssyncset.done $0x0  }
0x119: {  	[sflag:s3] =	ssyncadd.s32 $0xFFFFF9C0  }
0x11a: {  	_ =	swait.ge [sflag:s9], $0xC800  }
0x11b: {  	[sflag:s9] =	ssyncset.done $0x0  }
0x11c: {  	[sflag:s9] =	ssyncadd.s32 $0xFFFF3800  }
0x11d: {  	[tilespmem:s6], [sflag:$0x1] =	stream.indirect.gather [hbm4b:s4+s5], $0x20, s2, s5, $0xb8;
	[tilespmem:$0x19C80] =	vst v63  }
0x11e: {  	s0 =	rddreg [dreg:$0xb]  }
0x11f: {  	[hbm4b:s0+s2] =	stream.linear.scatter [tilespmem:s8], [sflag:$0x3], $0xC800, $0x38;
	[tilespmem:$0x19C80] =	vst v63  }
0x120: {  	_ =	swait.ge [sflag:s3], $0xC800  }
0x121: {  	[sflag:s3] =	ssyncset.done $0x0  }
0x122: {  	s0 =	rddreg [dreg:$0xc];
	[sflag:s3] =	ssyncadd.s32 $0xFFFF3800  }
0x123: {  	[tilespmem:s5], [sflag:$0x3] =	stream.linear.gather [hbm4b:s0+s2], $0x640, $0x38;
	[tilespmem:$0x19C80] =	vst v63  }
0x124: {  	_ =	swait.ge [sflag:s3], $0x640  }
0x125: {  	[sflag:s3] =	ssyncset.done $0x0  }
0x126: {  	[sflag:s3] =	ssyncadd.s32 $0xFFFFF9C0  }
0x127: {  	_ =	swait.ge [sflag:s7], $0xC800  }
0x128: {  	[sflag:s7] =	ssyncset.done $0x0  }
0x129: {  	[sflag:s7] =	ssyncadd.s32 $0xFFFF3800  }
0x12a: {  	[tilespmem:s8], [sflag:$0x2] =	stream.indirect.gather [hbm4b:s4+s5], $0x20, s5, s5, $0xb8;
	[tilespmem:$0x19C80] =	vst v63  }
0x12b: {  	s0 =	rddreg [dreg:$0xd]  }
0x12c: {  	[hbm4b:s0+s2] =	stream.linear.scatter [tilespmem:s6], [sflag:$0x3], $0xC800, $0x38;
	[tilespmem:$0x19C80] =	vst v63  }
0x12d: {  	_ =	swait.ge [sflag:s3], $0xC800  }
0x12e: {  	[sflag:s3] =	ssyncset.done $0x0  }
0x12f: {  	[sflag:s3] =	ssyncadd.s32 $0xFFFF3800  }
0x130: {  	[tilespmem:s2], [sflag:$0x3] =	stream.linear.gather [hbm4b:s10+s2], $0x640, $0x38;
	[tilespmem:$0x19C80] =	vst v63  }
0x131: {  	_ =	swait.ge [sflag:s3], $0x640  }
0x132: {  	[sflag:s3] =	ssyncset.done $0x0  }
0x133: {  	[sflag:s3] =	ssyncadd.s32 $0xFFFFF9C0  }
0x134: {  	_ =	swait.ge [sflag:s9], $0xC800  }
0x135: {  	[sflag:s9] =	ssyncset.done $0x0  }
0x136: {  	[sflag:s9] =	ssyncadd.s32 $0xFFFF3800  }
0x137: {  	[tilespmem:s6], [sflag:$0x1] =	stream.indirect.gather [hbm4b:s4+s5], $0x20, s2, s5, $0xb8;
	[tilespmem:$0x19C80] =	vst v63  }
0x138: {  	_ = 	snop  }
0x139: {  	[hbm4b:s11+s2] =	stream.linear.scatter [tilespmem:s8], [sflag:$0x3], $0xC800, $0x38;
	[tilespmem:$0x19C80] =	vst v63  }
0x13a: {  	_ =	swait.ge [sflag:s3], $0xC800  }
0x13b: {  	[sflag:s3] =	ssyncset.done $0x0  }
0x13c: {  	[sflag:s3] =	ssyncadd.s32 $0xFFFF3800  }
0x13d: {  	[tilespmem:s5], [sflag:$0x3] =	stream.linear.gather [hbm4b:s12+s2], $0x640, $0x38;
	[tilespmem:$0x19C80] =	vst v63  }
0x13e: {  	_ =	swait.ge [sflag:s3], $0x640  }
0x13f: {  	[sflag:s3] =	ssyncset.done $0x0  }
0x140: {  	[sflag:s3] =	ssyncadd.s32 $0xFFFFF9C0  }
0x141: {  	_ =	swait.ge [sflag:s7], $0xC800  }
0x142: {  	[sflag:s7] =	ssyncset.done $0x0  }
0x143: {  	[sflag:s7] =	ssyncadd.s32 $0xFFFF3800  }
0x144: {  	[tilespmem:s8], [sflag:$0x2] =	stream.indirect.gather [hbm4b:s4+s5], $0x20, s5, s5, $0xb8;
	[tilespmem:$0x19C80] =	vst v63  }
0x145: {  	_ = 	snop  }
0x146: {  	[hbm4b:s13+s2] =	stream.linear.scatter [tilespmem:s6], [sflag:$0x3], $0xC800, $0x38;
	[tilespmem:$0x19C80] =	vst v63  }
0x147: {  	_ =	swait.ge [sflag:s3], $0xC800  }
0x148: {  	[sflag:s3] =	ssyncset.done $0x0  }
0x149: {  	[sflag:s3] =	ssyncadd.s32 $0xFFFF3800  }
0x14a: {  	[tilespmem:s2], [sflag:$0x3] =	stream.linear.gather [hbm4b:s14+s2], $0x640, $0x38;
	[tilespmem:$0x19C80] =	vst v63  }
0x14b: {  	_ =	swait.ge [sflag:s3], $0x640  }
0x14c: {  	[sflag:s3] =	ssyncset.done $0x0  }
0x14d: {  	[sflag:s3] =	ssyncadd.s32 $0xFFFFF9C0  }
0x14e: {  	_ =	swait.ge [sflag:s9], $0xC800  }
0x14f: {  	[sflag:s9] =	ssyncset.done $0x0  }
0x150: {  	[sflag:s9] =	ssyncadd.s32 $0xFFFF3800  }
0x151: {  	[tilespmem:s6], [sflag:$0x1] =	stream.indirect.gather [hbm4b:s4+s5], $0x20, s2, s5, $0xb8;
	[tilespmem:$0x19C80] =	vst v63  }
0x152: {  	_ = 	snop  }
0x153: {  	[hbm4b:s15+s2] =	stream.linear.scatter [tilespmem:s8], [sflag:$0x3], $0xC800, $0x38;
	[tilespmem:$0x19C80] =	vst v63  }
0x154: {  	_ =	swait.ge [sflag:s3], $0xC800  }
0x155: {  	[sflag:s3] =	ssyncset.done $0x0  }
0x156: {  	[sflag:s3] =	ssyncadd.s32 $0xFFFF3800  }
0x157: {  	[tilespmem:s5], [sflag:$0x3] =	stream.linear.gather [hbm4b:s16+s2], $0x640, $0x38;
	[tilespmem:$0x19C80] =	vst v63  }
0x158: {  	_ =	swait.ge [sflag:s3], $0x640  }
0x159: {  	[sflag:s3] =	ssyncset.done $0x0  }
0x15a: {  	[sflag:s3] =	ssyncadd.s32 $0xFFFFF9C0  }
0x15b: {  	_ =	swait.ge [sflag:s7], $0xC800  }
0x15c: {  	[sflag:s7] =	ssyncset.done $0x0  }
0x15d: {  	[sflag:s7] =	ssyncadd.s32 $0xFFFF3800  }
0x15e: {  	[tilespmem:s8], [sflag:$0x2] =	stream.indirect.gather [hbm4b:s4+s5], $0x20, s5, s5, $0xb8;
	[tilespmem:$0x19C80] =	vst v63  }
0x15f: {  	_ = 	snop  }
0x160: {  	[hbm4b:s17+s2] =	stream.linear.scatter [tilespmem:s6], [sflag:$0x3], $0xC800, $0x38;
	[tilespmem:$0x19C80] =	vst v63  }
0x161: {  	_ =	swait.ge [sflag:s3], $0xC800  }
0x162: {  	[sflag:s3] =	ssyncset.done $0x0  }
0x163: {  	[sflag:s3] =	ssyncadd.s32 $0xFFFF3800  }
0x164: {  	[tilespmem:s2], [sflag:$0x3] =	stream.linear.gather [hbm4b:s18+s2], $0x640, $0x38;
	[tilespmem:$0x19C80] =	vst v63  }
0x165: {  	_ =	swait.ge [sflag:s3], $0x640  }
0x166: {  	[sflag:s3] =	ssyncset.done $0x0  }
0x167: {  	[sflag:s3] =	ssyncadd.s32 $0xFFFFF9C0  }
0x168: {  	_ =	swait.ge [sflag:s9], $0xC800  }
0x169: {  	[sflag:s9] =	ssyncset.done $0x0  }
0x16a: {  	[sflag:s9] =	ssyncadd.s32 $0xFFFF3800  }
0x16b: {  	[tilespmem:s6], [sflag:$0x1] =	stream.indirect.gather [hbm4b:s4+s5], $0x20, s2, s5, $0xb8;
	[tilespmem:$0x19C80] =	vst v63  }
0x16c: {  	_ = 	snop  }
0x16d: {  	[hbm4b:s19+s2] =	stream.linear.scatter [tilespmem:s8], [sflag:$0x3], $0xC800, $0x38;
	[tilespmem:$0x19C80] =	vst v63  }
0x16e: {  	_ =	swait.ge [sflag:s3], $0xC800  }
0x16f: {  	[sflag:s3] =	ssyncset.done $0x0  }
0x170: {  	[sflag:s3] =	ssyncadd.s32 $0xFFFF3800  }
0x171: {  	[tilespmem:s5], [sflag:$0x3] =	stream.linear.gather [hbm4b:s20+s2], $0x640, $0x38;
	[tilespmem:$0x19C80] =	vst v63  }
0x172: {  	_ =	swait.ge [sflag:s3], $0x640  }
0x173: {  	[sflag:s3] =	ssyncset.done $0x0  }
0x174: {  	[sflag:s3] =	ssyncadd.s32 $0xFFFFF9C0  }
0x175: {  	_ =	swait.ge [sflag:s7], $0xC800  }
0x176: {  	[sflag:s7] =	ssyncset.done $0x0  }
0x177: {  	[sflag:s7] =	ssyncadd.s32 $0xFFFF3800  }
0x178: {  	[tilespmem:s8], [sflag:$0x2] =	stream.indirect.gather [hbm4b:s4+s5], $0x20, s5, s5, $0xb8;
	[tilespmem:$0x19C80] =	vst v63  }
0x179: {  	_ = 	snop  }
0x17a: {  	[hbm4b:s21+s2] =	stream.linear.scatter [tilespmem:s6], [sflag:$0x3], $0xC800, $0x38;
	[tilespmem:$0x19C80] =	vst v63  }
0x17b: {  	_ =	swait.ge [sflag:s3], $0xC800  }
0x17c: {  	[sflag:s3] =	ssyncset.done $0x0  }
0x17d: {  	[sflag:s3] =	ssyncadd.s32 $0xFFFF3800  }
0x17e: {  	[tilespmem:s2], [sflag:$0x3] =	stream.linear.gather [hbm4b:s22+s2], $0x640, $0x38;
	[tilespmem:$0x19C80] =	vst v63  }
0x17f: {  	_ =	swait.ge [sflag:s3], $0x640  }
0x180: {  	[sflag:s3] =	ssyncset.done $0x0  }
0x181: {  	[sflag:s3] =	ssyncadd.s32 $0xFFFFF9C0  }
0x182: {  	_ =	swait.ge [sflag:s9], $0xC800  }
0x183: {  	[sflag:s9] =	ssyncset.done $0x0  }
0x184: {  	[sflag:s9] =	ssyncadd.s32 $0xFFFF3800  }
0x185: {  	[tilespmem:s6], [sflag:$0x1] =	stream.indirect.gather [hbm4b:s4+s5], $0x20, s2, s5, $0xb8;
	[tilespmem:$0x19C80] =	vst v63  }
0x186: {  	_ = 	snop  }
0x187: {  	[hbm4b:s23+s2] =	stream.linear.scatter [tilespmem:s8], [sflag:$0x3], $0xC800, $0x38;
	[tilespmem:$0x19C80] =	vst v63  }
0x188: {  	_ =	swait.ge [sflag:s3], $0xC800  }
0x189: {  	[sflag:s3] =	ssyncset.done $0x0  }
0x18a: {  	[sflag:s3] =	ssyncadd.s32 $0xFFFF3800  }
0x18b: {  	[tilespmem:s5], [sflag:$0x3] =	stream.linear.gather [hbm4b:s24+s2], $0x640, $0x38;
	[tilespmem:$0x19C80] =	vst v63  }
0x18c: {  	_ =	swait.ge [sflag:s3], $0x640  }
0x18d: {  	[sflag:s3] =	ssyncset.done $0x0  }
0x18e: {  	[sflag:s3] =	ssyncadd.s32 $0xFFFFF9C0  }
0x18f: {  	_ =	swait.ge [sflag:s7], $0xC800  }
0x190: {  	[sflag:s7] =	ssyncset.done $0x0  }
0x191: {  	[sflag:s7] =	ssyncadd.s32 $0xFFFF3800  }
0x192: {  	[tilespmem:s8], [sflag:$0x2] =	stream.indirect.gather [hbm4b:s4+s5], $0x20, s5, s5, $0xb8;
	[tilespmem:$0x19C80] =	vst v63  }
0x193: {  	_ = 	snop  }
0x194: {  	[hbm4b:s25+s2] =	stream.linear.scatter [tilespmem:s6], [sflag:$0x3], $0xC800, $0x38;
	[tilespmem:$0x19C80] =	vst v63  }
0x195: {  	_ =	swait.ge [sflag:s3], $0xC800  }
0x196: {  	[sflag:s3] =	ssyncset.done $0x0  }
0x197: {  	[sflag:s3] =	ssyncadd.s32 $0xFFFF3800  }
0x198: {  	[tilespmem:s2], [sflag:$0x3] =	stream.linear.gather [hbm4b:s26+s2], $0x640, $0x38;
	[tilespmem:$0x19C80] =	vst v63  }
0x199: {  	_ =	swait.ge [sflag:s3], $0x640  }
0x19a: {  	[sflag:s3] =	ssyncset.done $0x0  }
0x19b: {  	[sflag:s3] =	ssyncadd.s32 $0xFFFFF9C0  }
0x19c: {  	_ =	swait.ge [sflag:s9], $0xC800  }
0x19d: {  	[sflag:s9] =	ssyncset.done $0x0  }
0x19e: {  	[sflag:s9] =	ssyncadd.s32 $0xFFFF3800  }
0x19f: {  	[tilespmem:s6], [sflag:$0x1] =	stream.indirect.gather [hbm4b:s4+s5], $0x20, s2, s5, $0xb8;
	[tilespmem:$0x19C80] =	vst v63  }
0x1a0: {  	_ = 	snop  }
0x1a1: {  	[hbm4b:s28+s2] =	stream.linear.scatter [tilespmem:s8], [sflag:$0x3], $0xC800, $0x38;
	[tilespmem:$0x19C80] =	vst v63  }
0x1a2: {  	_ =	swait.ge [sflag:s3], $0xC800  }
0x1a3: {  	[sflag:s3] =	ssyncset.done $0x0  }
0x1a4: {  	[sflag:s3] =	ssyncadd.s32 $0xFFFF3800  }
0x1a5: {  	[tilespmem:s5], [sflag:$0x3] =	stream.linear.gather [hbm4b:s29+s2], $0x640, $0x38;
	[tilespmem:$0x19C80] =	vst v63  }
0x1a6: {  	_ =	swait.ge [sflag:s3], $0x640  }
0x1a7: {  	[sflag:s3] =	ssyncset.done $0x0  }
0x1a8: {  	[sflag:s3] =	ssyncadd.s32 $0xFFFFF9C0  }
0x1a9: {  	_ =	swait.ge [sflag:s7], $0xC800  }
0x1aa: {  	[sflag:s7] =	ssyncset.done $0x0  }
0x1ab: {  	[sflag:s7] =	ssyncadd.s32 $0xFFFF3800  }
0x1ac: {  	[tilespmem:s8], [sflag:$0x2] =	stream.indirect.gather [hbm4b:s4+s5], $0x20, s5, s5, $0xb8;
	[tilespmem:$0x19C80] =	vst v63  }
0x1ad: {  	_ = 	snop  }
0x1ae: {  	[hbm4b:s30+s2] =	stream.linear.scatter [tilespmem:s6], [sflag:$0x3], $0xC800, $0x38;
	[tilespmem:$0x19C80] =	vst v63  }
0x1af: {  	_ =	swait.ge [sflag:s3], $0xC800  }
0x1b0: {  	[sflag:s3] =	ssyncset.done $0x0  }
0x1b1: {  	p0 =	sne.s32 s1, $0x1;
	[sflag:s3] =	ssyncadd.s32 $0xFFFF3800  }
.Ltmp1:
0x1b2: {  	_ =	swait.ge [sflag:s9], $0xC800;
	(pc) =	sbr.rel @p0 .LBB2_1-.Ltmp1, $4  }
0x1b3: {  	[sflag:s9] =	ssyncset.done $0x0  }
0x1b4: {  	[sflag:s9] =	ssyncadd.s32 $0xFFFF3800  }
0x1b5: {  	[hbm4b:s31+s2] =	stream.linear.scatter [tilespmem:s8], [sflag:$0x3], $0xC800, $0x38;
	[tilespmem:$0x19C80] =	vst v63  }
0x1b6: {  	s1 =	sadd.s32 $0xFFFFFFFF, s1;
	_ =	swait.ge [sflag:s3], $0xC800  }
.LBB2_2:
0x1b7: {  	[sflag:s3] =	ssyncset.done $0x0  }
0x1b8: {  	[sflag:s3] =	ssyncadd.s32 $0xFFFF3800  }
0x1b9: {  	_ =	sfence.sel $0x180000  }
0x1ba: {  	[bflag:$0x0] =	sbarrier.arrive $0xFFFF  }
0x1bb: {  	_ =	strace $0x90000047  }
0x1bc: {  	s0 =	stileid.u32;
	[bflag:$0x2] =	sbarrier.arrive $0xFFFF  }
0x1bd: {  	p0 =	sne.s32 s0, $0x0;
	s0 =	rddreg [dreg:$0x2]  }
0x1be: {  	s0 =	sadd.s32 @!p0 $0x100000, s0  }
0x1bf: {  	[sflag:s0] =	ssyncadd.tile.s32 @!p0 $0x1;
	_ =	shalt  }
.Lfunc_end2:
_tile_overlayer_lowered:
.L_overlay_start_2:
0x1c0: {  	(tag) =	ssettag $0x2  }
0x1c1: {  	s0 =	rddreg [dreg:$0x0];
	s2 =	stileid.u32  }
0x1c2: {  	s1 =	rddreg [dreg:$0x1];
	p0 =	sne.s32 s2, $0x0  }
0x1c3: {  	s3 =	rddreg [dreg:$0x2];
	[bflag:$0x3] =	sbarrier.arrive $0xFFFF;
	s2 =	simm.s32 @!p0 $0x1C03  }
0x1c4: {  	[timem:s3], [sflag:s2] =	dma.local @!p0 [hbm:s0], s1  }
0x1c5: {  	s0 =	simm.s32 @!p0 $0x3  }
0x1c6: {  	_ =	swait.ge @!p0 [sflag:s0], s1  }
0x1c7: {  	s1 =	ssub.s32 @!p0 $0x0, s1;
	[sflag:s0] =	ssyncset.done @!p0 $0x0  }
0x1c8: {  	[sflag:s0] =	ssyncadd.s32 @!p0 s1  }
0x1c9: {  	[bflag:$0x3] =	sbarrier.arrive $0xFFFF  }
0x1ca: {  	_ =	shalt  }

// kernel: sparse-core-data-format-call.cloned.1.call-start
scs
called_computation_lowered:
.L_overlay_start_0:
0x0: {  	s2 =	sld [smem:$0x3FD9]  }
0x1: {  	s3 =	sld [smem:$0x3FFE];
	_ =	sdelay $0x1  }
0x2: {  	s1 =	srdreg.scid  }
0x3: {  	s0 =	sand.u32 $0x1, s1  }
0x4: {  	s18 =	sshll.u32 s0, $0xA;
	s2 =	sadd.s32 s3, s2  }
0x5: {  	s2 =	sadd.s32 s2, s18  }
0x6: {  	[smem:$0x3FC4] =	sst s2  }
0x7: {  	_ = 	snop  }
0x8: {  	s2 =	sld [smem:$0x3FD0];
	(tm) =	ssettm $0x1  }
0x9: {  	s19 =	sld [smem:$0x3FFB];
	_ =	sdelay $0x3  }
0xa: {  	_ =	strace s19  }
0xb: {  	s3 =	sld [smem:$0x3FFC];
	_ =	sdelay $0x3  }
0xc: {  	_ =	strace s3  }
0xd: {  	s3 =	sld [smem:$0x3FFD];
	_ =	sdelay $0x3  }
0xe: {  	_ =	strace s3  }
0xf: {  	_ =	strace $0x8FFFFFFF  }
0x10: {  	s20 =	sld [smem:$0x3FDB];
	_ =	sdelay $0x1  }
0x11: {  	s4 =	simm.s32 $_scs_section_size  }
0x12: {  	s5 =	simm.s32 $_size__tile_overlayer_lowered;
	s6 =	simm.s32 $_tile_overlayer_lowered  }
0x13: {  	s23 =	simm.s32 $0x1BFF;
	s22 =	sshll.u32 s6, $0x1;
	s3 =	sadd.s32 s4, s20  }
0x14: {  	s7 =	simm.s32 $0x0;
	s21 =	sshll.u32 s5, $0x1;
	s5 =	sadd.s32 s22, s3  }
0x15: {  	[timem:s7], [sflag:s23] =	dma.local [hbm:s5], s21  }
0x16: {  	_ =	swait.ge [sflag:s23], s21  }
0x17: {  	s4 =	ssub.s32 $0x0, s21;
	[sflag:s23] =	ssyncset.done $0x0  }
0x18: {  	[sflag:s23] =	ssyncadd.s32 s4;
	_ =	sdelay $0x1  }
0x19: {  	s24 =	simm.s32 $0x1B8B  }
0x1a: {  	_ =	swait.ge [sflag:s24], $0x1  }
0x1b: {  	[sflag:s24] =	ssyncset.done $0x0  }
0x1c: {  	s26 =	simm.s32 $0x1B8E;
	s25 =	sld [smem:$0x3FFE];
	[sflag:s24] =	ssyncadd.s32 $0xFFFFFFFF  }
0x1d: {  	s27 =	simm.s32 $execute0_lowered;
	[smem:$0x3FD2] =	sst s26  }
0x1e: {  	s5 =	sshll.u32 s27, $0x1;
	_ =	strace $0x80000049;
	[dreg:$0x1] =	wrdreg $0xFFFFFFFF  }
0x1f: {  	s28 =	simm.s32 $_size_execute0_lowered;
	s3 =	sadd.s32 s3, s5;
	[dreg:$0x0] =	wrdreg $0x0  }
0x20: {  	s5 =	sshll.u32 s28, $0x1;
	[dreg:$0x2] =	wrdreg s3  }
0x21: {  	[dreg:$0x3] =	wrdreg s5  }
0x22: {  	[dreg:$0x4] =	wrdreg $0xC0  }
0x23: {  	_ =	task [dreg:s7], $0x5FFFF  }
0x24: {  	[dreg:$0x1] =	wrdreg $0xFFFFFFFF  }
0x25: {  	[dreg:$0x0] =	wrdreg $0x60  }
0x26: {  	[dreg:$0x2] =	wrdreg s25  }
0x27: {  	[dreg:$0x3] =	wrdreg s2  }
0x28: {  	[dreg:$0x4] =	wrdreg $0x9  }
0x29: {  	_ =	task.clear_ibuf [dreg:s7], $0x5FFFF;
	_ =	strace $0x90000049  }
0x2a: {  	s29 =	simm.s32 $0x9;
	_ =	strace $0x8000004B  }
0x2b: {  	_ =	swait.ge [sflag:s29], $0x1  }
0x2c: {  	[sflag:s29] =	ssyncadd.s32 $0xFFFFFFFF  }
0x2d: {  	_ =	strace $0x9000004B  }
0x2e: {  	_ =	sfence  }
0x2f: {  	s30 =	sld [smem:$0x0];
	_ =	sdelay $0x2  }
0x30: {  	s31 =	sshll.u32 s1, $0xD;
	s1 =	sshrl.u32 s1, $0x2  }
0x31: {  	s3 =	sand.u32 $0x4000, s31;
	s1 =	sadd.s32 s1, s30  }
0x32: {  	s0 =	sor.u32 s3, s0;
	s1 =	sshll.u32 s1, $0x11  }
0x33: {  	s0 =	sor.u32 s1, s0  }
0x34: {  	s0 =	sadd.s32 $0x8F2B, s0  }
0x35: {  	[sflag:s0] =	ssyncadd.remote.s32 $0x1  }
0x36: {  	_ =	sfence.sel $0xFFFF  }
0x37: {  	[dreg:$0x0] =	wrdreg $0xFFFFFFFF;
	(pc) =	sbr.abs _section_cstart, $3  }
0x38: {  	[dreg:$0x1] =	wrdreg $0xFFFFFFFF  }
0x39: {  	_ =	task.clear_ibuf [dreg:s7], $0x2FFFF;
	_ =	strace $0x9FFFFFFF  }
0x3a: {  	(tm) =	ssettm $0x7FFFFFFF  }
0x3b: {  	_ =	shalt  }
tec
execute0_lowered:
.L_overlay_start_1:
0x0: {  	(tag) =	ssettag $0x1  }
0x1: {  	s0 =	srdreg.scid  }
0x2: {  	s1 =	sshll.u32 s0, $0x4  }
0x3: {  	s0 =	stileid.u32;
	s1 =	sand.u32 $0x10, s1  }
0x4: {  	s1 =	sor.u32 s0, s1  }
0x5: {  	s6 =	rddreg [dreg:$0x0];
	s4 =	simm.s32 $0x1;
	s2 =	sshll.u32 s1, $0x7  }
0x6: {  	s7 =	simm.s32 $0x2;
	s12 =	simm.s32 $0x0;
	s1 =	ssub.s32 $0x1000, s2  }
0x7: {  	s8 =	simm.s32 $0x8000;
	s13 =	simm.s32 $0x0;
	s3 =	sand.u32 $0xF80, s1  }
0x8: {  	s9 =	simm.s32 $0x0;
	s5 =	sshrl.u32 s1, $0xC;
	p0 =	sne.s32 s3, $0x0  }
.Ltmp0:
0x9: {  	s1 =	rddreg [dreg:$0x2];
	s4 =	simm.s32 @!p0 $0x0;
	(pc) =	sbr.rel .LBB1_1-.Ltmp0, $4  }
0xa: {  	s11 =	simm.s32 $0x0;
	s3 =	rddreg [dreg:$0x1];
	s5 =	sadd.s32 s4, s5  }
0xb: {  	_ =	strace $0x8000004A;
	s4 =	simm.s32 $0x1;
	s5 =	smul.u32 $0xC8, s5  }
0xc: {  	s6 =	sadd.s32 $0xA00, s6;
	s10 =	smov.u32 s2;
	[sflag:s4] =	ssyncpa.u1 $0x0  }
0xd: {  	p0 =	por $0x0, $0x0;
	[sflag:s7] =	ssyncpa.u1 $0x0;
	s7 =	sor.u32 $0x1, s5  }
.LBB1_4:
0xe: {  	s16 =	sshll.u32 s13, $0x3;
	s17 =	sand.u32 $0x78, s13  }
0xf: {  	s30 =	sand.u32 $0x3E00, s13;
	s12 =	sshll.u32 s12, $0xE;
	s16 =	sand.u32 $0xC00, s16  }
0x10: {  	s31 =	sand.u32 $0x7, s13;
	s16 =	sor.u32 s17, s16;
	s17 =	sadd.s32 s3, s30  }
0x11: {  	s13 =	sshll.u32 s31, $0x12;
	s16 =	sshrl.u32 s16, $0x3;
	s12 =	sadd.s32 s12, s17  }
0x12: {  	[tilespmem:s15+$0x0 ss:$0x81] =	vst.msk $0xffff, v0;
	s13 =	sor.u32 $0x400, s13;
	s12 =	sadd.s32 s16, s12  }
0x13: {  	[hbm4b:s12+s13] =	stream.strided.scatter [tilespmem:s14], [sflag:$0x2], $0x1000, s8, s13, $0x20;
	[tilespmem:$0x4040] =	vst v63  }
.LBB1_5:
0x14: {  	s14 =	sadd.s32 $0x1, s9  }
0x15: {  	s12 =	sadd.s32 $0x1000, s10;
	s16 =	smov.u32 s10;
	p2 =	sgt.s32 s14, $0xC7  }
0x16: {  	s16 =	smov.u32 @p2 s12  }
0x17: {  	s14 =	simm.s32 @p2 $0x0;
	p2 =	sgt.s32 s16, $0xFFF  }
0x18: {  	s16 =	smov.u32 @p2 s2;
	p2 =	sne.s32 s11, s7  }
.Ltmp1:
0x19: {  	p1 =	slt.u32 s11, $0x2;
	(pc) =	sbr.rel @!p2 .LBB1_6-.Ltmp1, $4  }
0x1a: {  	s15 =	simm.s32 @!p1 $0x2  }
0x1b: {  	s13 =	smov.u32 s10;
	p0 =	por !p0, !p0;
	_ =	swait.ge @!p1 [sflag:s15], $0x1000  }
0x1c: {  	s12 =	smov.u32 s9;
	[sflag:s15] =	ssyncset.done @!p1 $0x0;
	s9 =	smov.u32 s14  }
0x1d: {  	s11 =	sadd.s32 $0x1, s11;
	[sflag:s15] =	ssyncadd.s32 @!p1 $0xFFFFF000;
	s10 =	smov.u32 s16  }
.LBB1_1:
0x1e: {  	p1 =	sge.u32 s11, s5  }
0x1f: {  	s14 =	sand.u32 @!p1 $0x1FFFFFF, s9  }
0x20: {  	s15 =	smulhi.u32 @!p1 $0x147AE15, s14;
	_ =	sdelay $0x1  }
0x21: {  	s15 =	smul.u32 @!p1 $0xC8, s15  }
0x22: {  	s16 =	sxor.u32 @!p1 $0xFFFFFFFF, s11;
	s17 =	smul.u32 @!p1 $0xC80, s10  }
0x23: {  	s31 =	sadd.s32 $0xFFFFFFFF, s11;
	s16 =	sshll.u32 @!p1 s16, $0xC;
	s14 =	ssub.s32 @!p1 s14, s15  }
0x24: {  	s15 =	sand.u32 @!p1 $0x1000, s16;
	s16 =	sadd.s32 @!p1 s6, s17;
	s14 =	sshll.u32 @!p1 s14, $0x4  }
0x25: {  	s17 =	simm.s32 @!p1 $0x6400;
	s14 =	sadd.s32 @!p1 s14, s16;
	s16 =	simm.s32 @!p1 $0x20  }
0x26: {  	[tilespmem:s15], [sflag:$0x1] =	stream.strided.gather @!p1 [hbm4b:s14+s16], $0x1000, s17, s16, $0x38;
	[tilespmem:$0x4040] =	vst v63  }
0x27: {  	p1 =	sge.u32 s31, s5  }
.Ltmp2:
0x28: {  	_ = 	snop;
	(pc) =	sbr.rel @p1 .LBB1_5-.Ltmp2, $1  }
0x29: {  	_ =	sdelay $0x3  }
0x2a: {  	s14 =	simm.s32 $0x1  }
0x2b: {  	_ =	swait.ge [sflag:s4], $0x1000;
	s14 =	simm.s32 @!p0 $0x0  }
0x2c: {  	[sflag:s4] =	ssyncset.done $0x0;
	s15 =	sshll.u32 s14, $0xC  }
0x2d: {  	[sflag:s4] =	ssyncadd.s32 $0xFFFFF000;
	s18 =	sor.u32 $0x10, s15  }
0x2e: {  	s14 =	smul.u32 $0x4080, s14;
	v1 =	vld [tilespmem:s18+$0x0]  }
0x2f: {  	s30 =	sand.u32 $0x1, s11;
	v0 =	vld [tilespmem:s18+$0xFFFFFFF0]  }
0x30: {  	s15 =	smul.u32 $0x4080, s30;
	s14 =	sshrl.u32 s14, $0x2  }
0x31: {  	s16 =	sor.u32 $0x2000, s14  }
0x32: {  	s31 =	sshrl.u32 s15, $0x2;
	s15 =	sadd.s32 $0x0, s16  }
0x33: {  	s17 =	simm.s32 $0x4;
	s18 =	sadd.s32 $0x20, s18;
	s14 =	sor.u32 $0x2000, s31;
	[tilespmem:s15+$0x810 ss:$0x81] =	vst.msk $0xffff, v1  }
.LBB1_3:
0x34: {  	v1 =	vld [tilespmem:s18+$0x0];
	p1 =	sne.s32 s17, $0x1FC;
	[tilespmem:s15+$0x0 ss:$0x81] =	vst.msk $0xffff, v0;
	s15 =	smov.u32 s17;
	s17 =	sadd.s32 $0x4, s17  }
.Ltmp3:
0x35: {  	v0 =	vld [tilespmem:s18+$0xFFFFFFF0];
	(pc) =	sbr.rel @p1 .LBB1_3-.Ltmp3, $4  }
0x36: {  	_ = 	snop  }
0x37: {  	s15 =	sshra.s32 s15, $0x2  }
0x38: {  	s15 =	sadd.s32 s15, s16  }
0x39: {  	s18 =	sadd.s32 $0x20, s18;
	[tilespmem:s15+$0x810 ss:$0x81] =	vst.msk $0xffff, v1  }
.Ltmp4:
0x3a: {  	_ = 	snop;
	(pc) =	sbr.rel .LBB1_4-.Ltmp4, $1  }
0x3b: {  	_ =	sdelay $0x3  }
.LBB1_6:
0x3c: {  	_ =	sfence.sel $0x180000  }
0x3d: {  	s2 =	simm.s32 $0x1;
	[bflag:$0x0] =	sbarrier.arrive $0xFFFF  }
0x3e: {  	s31 =	simm.s32 $0x2;
	[sflag:s2] =	ssyncpa.u1 $0x1  }
0x3f: {  	[sflag:s31] =	ssyncpa.u1 $0x1  }
0x40: {  	p0 =	sne.s32 s0, $0x0;
	_ =	strace $0x9000004A  }
0x41: {  	s0 =	sadd.s32 @!p0 $0x100000, s1;
	[bflag:$0x2] =	sbarrier.arrive $0xFFFF  }
0x42: {  	[sflag:s0] =	ssyncadd.tile.s32 @!p0 $0x1;
	_ =	shalt  }
.Lfunc_end1:
_tile_overlayer_lowered:
.L_overlay_start_2:
0x43: {  	(tag) =	ssettag $0x2  }
0x44: {  	s0 =	rddreg [dreg:$0x0];
	s2 =	stileid.u32  }
0x45: {  	s1 =	rddreg [dreg:$0x1];
	p0 =	sne.s32 s2, $0x0  }
0x46: {  	s3 =	rddreg [dreg:$0x2];
	[bflag:$0x3] =	sbarrier.arrive $0xFFFF;
	s2 =	simm.s32 @!p0 $0x1C01  }
0x47: {  	[timem:s3], [sflag:s2] =	dma.local @!p0 [hbm:s0], s1  }
0x48: {  	s0 =	simm.s32 @!p0 $0x1  }
0x49: {  	_ =	swait.ge @!p0 [sflag:s0], s1  }
0x4a: {  	s1 =	ssub.s32 @!p0 $0x0, s1;
	[sflag:s0] =	ssyncset.done @!p0 $0x0  }
0x4b: {  	[sflag:s0] =	ssyncadd.s32 @!p0 s1  }
0x4c: {  	[bflag:$0x3] =	sbarrier.arrive $0xFFFF  }
0x4d: {  	_ =	shalt  }

</sc_bundles>
